<compile_context>
chip_gen: v7x
topology: tpu7x:2x2x1
jax: 0.10.2.dev20260603
libtpu: 0.0.44.dev20260713+nightly
codegen_flags: <defaults>
</compile_context>

<pallas_src>
import functools

import jax
import jax.numpy as jnp
from jax import lax
from jax.experimental import pallas as pl
from jax.experimental.pallas import tpu as pltpu
from jax.experimental.pallas import tpu_sc as plsc

BATCH = 16384
SEQ = 20
EMBED_DIM = 32
VOCAB_P1 = 1000001

NUM_WORKERS = 32
SAMPLES_PER_WORKER = BATCH // NUM_WORKERS
CHUNK = 64
NCHUNK = SAMPLES_PER_WORKER // CHUNK
ROWS_PER_CHUNK = CHUNK * SEQ
GATHER_BLK = 128
NGATHER = ROWS_PER_CHUNK // GATHER_BLK


def _sc_body(xf_hbm, table_hbm, wb_hbm, out_hbm,
             idx_v, rows_v, wb_v, row0_v, out_v, sem):
    nc = 2
    wid = lax.axis_index("s") * nc + lax.axis_index("c")
    base_s = wid * SAMPLES_PER_WORKER

    pltpu.sync_copy(wb_hbm, wb_v)
    bv = wb_v[pl.ds(32, 16)]

    pltpu.sync_copy(table_hbm.at[pl.ds(0, 1)],
                    row0_v.at[pl.ds(0, 1), pl.ds(0, EMBED_DIM)])

    lane = lax.iota(jnp.int32, 16)

    def chunk_body(c, carry):
        flat_off = (base_s + c * CHUNK) * SEQ
        pltpu.sync_copy(xf_hbm.at[pl.ds(flat_off, ROWS_PER_CHUNK)], idx_v)

        def fire(j, _):
            sl = pl.ds(j * GATHER_BLK, GATHER_BLK)
            pltpu.async_copy(table_hbm.at[idx_v.at[sl]], rows_v.at[sl], sem)
            return 0
        lax.fori_loop(0, NGATHER, fire, 0)
        for _ in range(NGATHER):
            pltpu.make_async_copy(
                table_hbm.at[idx_v.at[pl.ds(0, GATHER_BLK)]],
                rows_v.at[pl.ds(0, GATHER_BLK)], sem).wait()

        def group_body(g, _):
            row_base = g * (16 * SEQ) + lane * SEQ
            row_vecs = [row_base + p for p in range(SEQ)]

            cnt = jnp.zeros((16,), jnp.float32)
            for p in range(SEQ):
                v = plsc.load_gather(idx_v, [row_vecs[p]])
                cnt = cnt + jnp.where(v == 0, 1.0, 0.0).astype(jnp.float32)

            def dim_body(d, acc):
                col = jnp.full((16,), d, jnp.int32)
                tmp = jnp.zeros((16,), jnp.float32)
                for p in range(SEQ):
                    tmp = tmp + plsc.load_gather(rows_v, [row_vecs[p], col])
                w_d = wb_v[pl.ds(d, 16)][0]
                t0_d = row0_v[0, pl.ds(d, 16)][0]
                return acc + (tmp - cnt * t0_d) * w_d
            sums = lax.fori_loop(0, EMBED_DIM, dim_body,
                                 jnp.zeros((16,), jnp.float32))

            logits = sums * (1.0 / SEQ) + bv
            probs = 1.0 / (1.0 + jnp.exp(-logits))
            out_v[pl.ds(c * CHUNK + g * 16, 16)] = probs
            return 0
        lax.fori_loop(0, CHUNK // 16, group_body, 0)
        return carry

    lax.fori_loop(0, NCHUNK, chunk_body, 0)
    pltpu.sync_copy(out_v, out_hbm.at[pl.ds(base_s, SAMPLES_PER_WORKER)])


@jax.jit
def _run(xf, table, wb):
    mesh = plsc.VectorSubcoreMesh(core_axis_name="c", subcore_axis_name="s")
    f = functools.partial(
        pl.kernel, mesh=mesh,
        out_type=jax.ShapeDtypeStruct((BATCH,), jnp.float32),
        scratch_types=[
            pltpu.VMEM((ROWS_PER_CHUNK,), jnp.int32),
            pltpu.VMEM((ROWS_PER_CHUNK, EMBED_DIM), jnp.float32),
            pltpu.VMEM((48,), jnp.float32),
            pltpu.VMEM((1, 48), jnp.float32),
            pltpu.VMEM((SAMPLES_PER_WORKER,), jnp.float32),
            pltpu.SemaphoreType.DMA,
        ],
        compiler_params=pltpu.CompilerParams(
            needs_layout_passes=False, use_tc_tiling_on_sc=False),
    )(_sc_body)
    return f(xf, table, wb)


def kernel(x, table, W, b):
    xf = x.reshape(-1).astype(jnp.int32)
    wb = jnp.concatenate(
        [W.reshape(-1).astype(jnp.float32),
         jnp.full((16,), b[0], jnp.float32)])
    out = _run(xf, table, wb)
    return out.reshape(BATCH, 1)

# --- scband reference (transcript-rebuilt; emitter-appended) ---
"""Pipeline reference for scband-tiny-sentiment-model-20598663151922 (READ-ONLY COPY).

The authoritative reference and input builder live on the scoring server;
editing this copy changes nothing except your own understanding.
"""

import jax, jax.numpy as jnp
import numpy as np

VOCAB_SIZE = 1000000
EMBED_DIM = 32
BATCH = 16384
SEQ = 20

def setup_inputs(seed: int = 0) -> dict:
    key = jax.random.key(seed)
    k1, k2, k3, k4 = jax.random.split(key, 4)
    x = jax.random.randint(k1, (BATCH, SEQ), 0, VOCAB_SIZE, dtype=jnp.int64 if jax.config.jax_enable_x64 else jnp.int32)
    table = jax.random.normal(k2, (VOCAB_SIZE + 1, EMBED_DIM), dtype=jnp.float32) * 0.02
    W = jax.random.normal(k3, (1, EMBED_DIM), dtype=jnp.float32) * (1.0 / np.sqrt(EMBED_DIM))
    b = jax.random.normal(k4, (1,), dtype=jnp.float32) * 0.01
    return {"x": x, "table": table, "W": W, "b": b}

def reference(x, table, W, b):
    # nn.Embedding with padding_idx=0: row 0 is zeros
    table_eff = table.at[0].set(0.0)
    emb = jnp.take(table_eff, x, axis=0)            # [B, S, D] gather
    avg_emb = jnp.mean(emb, axis=1)                 # [B, D]
    logits = avg_emb @ W.T + b                      # [B, 1]
    probs = jax.nn.sigmoid(logits)
    return probs

if __name__ == "__main__":
    import jax
    _d = setup_inputs()
    print(jax.jit(kernel)(*tuple(_d.values())))

</pallas_src>

<mosaic_0001>
#map = affine_map<(d0, d1) -> (0)>
#map1 = affine_map<(d0, d1) -> (0, 0)>
module attributes {stable_mosaic.version = 14 : i64} {
  func.func @_sc_body(%arg0: i32, %arg1: i32, %arg2: memref<327680xi32, #tpu.memory_space<hbm>>, %arg3: memref<1000001x32xf32, #tpu.memory_space<hbm>>, %arg4: memref<48xf32, #tpu.memory_space<hbm>>, %arg5: memref<16384xf32, #tpu.memory_space<hbm>>, %arg6: memref<1280xi32, #tpu.memory_space<vmem>>, %arg7: memref<1280x32xf32, #tpu.memory_space<vmem>>, %arg8: memref<48xf32, #tpu.memory_space<vmem>>, %arg9: memref<1x48xf32, #tpu.memory_space<vmem>>, %arg10: memref<512xf32, #tpu.memory_space<vmem>>, %arg11: memref<!tpu.dma_semaphore, #tpu.memory_space<semaphore_mem>>) attributes {dimension_semantics = [#tpu.dimension_semantics<core_parallel>, #tpu.dimension_semantics<subcore_parallel>], iteration_bounds = array<i64: 2, 16>, scalar_prefetch = 0 : i64, scratch_operands = 6 : i64, tpu.core_type = #tpu.core_type<sc_vector_subcore>, window_params = [{transform_indices = #map}, {transform_indices = #map1}, {transform_indices = #map}, {transform_indices = #map}]} {
    %mul3A = arith.constant 2 : i32
    %mul3A_0 = arith.muli %arg1, %mul3A : i32
    %add3A = arith.addi %mul3A_0, %arg0 : i32
    %mul3A_1 = arith.constant 512 : i32
    %mul3A_2 = arith.muli %add3A, %mul3A_1 : i32
    "tpu.region"() ({
      %run_scoped3A = tpu.sem_alloc : memref<!tpu.dma_semaphore, #tpu.memory_space<semaphore_mem>>
      tpu.enqueue_dma source(%arg4 : memref<48xf32, #tpu.memory_space<hbm>>) target(%arg8 : memref<48xf32, #tpu.memory_space<vmem>>) target_semaphore(%run_scoped3A : memref<!tpu.dma_semaphore, #tpu.memory_space<semaphore_mem>>)
      tpu.wait_dma2 semaphore(%run_scoped3A : memref<!tpu.dma_semaphore, #tpu.memory_space<semaphore_mem>>) src(%arg4 : memref<48xf32, #tpu.memory_space<hbm>>) dst(%arg8 : memref<48xf32, #tpu.memory_space<vmem>>)
      tpu.yield
    }) : () -> ()
    %get3A = arith.constant 32 : index
    %get3A_3 = tpu.vector_load %arg8[%get3A] {strides = array<i32>} : memref<48xf32, #tpu.memory_space<vmem>>, vector<16xf32>,
    "tpu.region"() ({
      %run_scoped3A = tpu.sem_alloc : memref<!tpu.dma_semaphore, #tpu.memory_space<semaphore_mem>>
      %dma_start3A = arith.constant 0 : i32
      %dma_start3A_9 = arith.constant 0 : i32
      %dma_start3A_10 = tpu.memref_slice %arg9[%dma_start3A, %dma_start3A_9] : memref<1x48xf32, #tpu.memory_space<vmem>> -> memref<1x32xf32, #tpu.memory_space<vmem>>
      %dma_start3A_11 = arith.constant 0 : i32
      %dma_start3A_12 = arith.constant 0 : i32
      %dma_start3A_13 = tpu.memref_slice %arg3[%dma_start3A_11, %dma_start3A_12] : memref<1000001x32xf32, #tpu.memory_space<hbm>> -> memref<1x32xf32, #tpu.memory_space<hbm>>
      %dma_start3A_14 = arith.constant 0 : i32
      %dma_start3A_15 = arith.constant 0 : i32
      %dma_start3A_16 = tpu.memref_slice %arg9[%dma_start3A_14, %dma_start3A_15] : memref<1x48xf32, #tpu.memory_space<vmem>> -> memref<1x32xf32, #tpu.memory_space<vmem>>
      %dma_start3A_17 = arith.constant 0 : i32
      %dma_start3A_18 = arith.constant 0 : i32
      %dma_start3A_19 = tpu.memref_slice %arg3[%dma_start3A_17, %dma_start3A_18] : memref<1000001x32xf32, #tpu.memory_space<hbm>> -> memref<1x32xf32, #tpu.memory_space<hbm>>
      tpu.enqueue_dma source(%dma_start3A_19 : memref<1x32xf32, #tpu.memory_space<hbm>>) target(%dma_start3A_16 : memref<1x32xf32, #tpu.memory_space<vmem>>) target_semaphore(%run_scoped3A : memref<!tpu.dma_semaphore, #tpu.memory_space<semaphore_mem>>)
      %dma_wait3A = arith.constant 0 : i32
      %dma_wait3A_20 = arith.constant 0 : i32
      %dma_wait3A_21 = tpu.memref_slice %arg9[%dma_wait3A, %dma_wait3A_20] : memref<1x48xf32, #tpu.memory_space<vmem>> -> memref<1x32xf32, #tpu.memory_space<vmem>>
      %dma_wait3A_22 = arith.constant 0 : i32
      %dma_wait3A_23 = arith.constant 0 : i32
      %dma_wait3A_24 = tpu.memref_slice %arg3[%dma_wait3A_22, %dma_wait3A_23] : memref<1000001x32xf32, #tpu.memory_space<hbm>> -> memref<1x32xf32, #tpu.memory_space<hbm>>
      %dma_wait3A_25 = arith.constant 0 : i32
      %dma_wait3A_26 = arith.constant 0 : i32
      %dma_wait3A_27 = tpu.memref_slice %arg9[%dma_wait3A_25, %dma_wait3A_26] : memref<1x48xf32, #tpu.memory_space<vmem>> -> memref<1x32xf32, #tpu.memory_space<vmem>>
      %dma_wait3A_28 = arith.constant 0 : i32
      %dma_wait3A_29 = arith.constant 0 : i32
      %dma_wait3A_30 = tpu.memref_slice %arg3[%dma_wait3A_28, %dma_wait3A_29] : memref<1000001x32xf32, #tpu.memory_space<hbm>> -> memref<1x32xf32, #tpu.memory_space<hbm>>
      tpu.wait_dma2 semaphore(%run_scoped3A : memref<!tpu.dma_semaphore, #tpu.memory_space<semaphore_mem>>) src(%dma_wait3A_30 : memref<1x32xf32, #tpu.memory_space<hbm>>) dst(%dma_wait3A_27 : memref<1x32xf32, #tpu.memory_space<vmem>>)
      tpu.yield
    }) : () -> ()
    %iota3A = tpu.iota {dimensions = array<i32: 0>} : vector<16xi32>
    %scan3A = arith.constant 0 : i32
    %scan3A_4 = arith.constant 0 : i32
    %scan3A_5 = arith.constant 8 : i32
    %scan3A_6 = arith.addi %scan3A_4, %scan3A_5 : i32
    %scan3A_7 = arith.constant 1 : i32
    scf.for %scan3A_9 = %scan3A_4 to %scan3A_6 step %scan3A_7  : i32 {
      %mul3A_10 = arith.constant 64 : i32
      %mul3A_11 = arith.muli %scan3A_9, %mul3A_10 : i32
      %add3A_12 = arith.addi %mul3A_2, %mul3A_11 : i32
      %mul3A_13 = arith.constant 20 : i32
      %mul3A_14 = arith.muli %add3A_12, %mul3A_13 : i32
      "tpu.region"() ({
        %run_scoped3A = tpu.sem_alloc : memref<!tpu.dma_semaphore, #tpu.memory_space<semaphore_mem>>
        %dma_start3A = tpu.memref_slice %arg2[%mul3A_14] : memref<327680xi32, #tpu.memory_space<hbm>> -> memref<1280xi32, #tpu.memory_space<hbm>>
        %dma_start3A_108 = tpu.memref_slice %arg2[%mul3A_14] : memref<327680xi32, #tpu.memory_space<hbm>> -> memref<1280xi32, #tpu.memory_space<hbm>>
        tpu.enqueue_dma source(%dma_start3A_108 : memref<1280xi32, #tpu.memory_space<hbm>>) target(%arg6 : memref<1280xi32, #tpu.memory_space<vmem>>) target_semaphore(%run_scoped3A : memref<!tpu.dma_semaphore, #tpu.memory_space<semaphore_mem>>)
        %dma_wait3A_109 = tpu.memref_slice %arg2[%mul3A_14] : memref<327680xi32, #tpu.memory_space<hbm>> -> memref<1280xi32, #tpu.memory_space<hbm>>
        %dma_wait3A_110 = tpu.memref_slice %arg2[%mul3A_14] : memref<327680xi32, #tpu.memory_space<hbm>> -> memref<1280xi32, #tpu.memory_space<hbm>>
        tpu.wait_dma2 semaphore(%run_scoped3A : memref<!tpu.dma_semaphore, #tpu.memory_space<semaphore_mem>>) src(%dma_wait3A_110 : memref<1280xi32, #tpu.memory_space<hbm>>) dst(%arg6 : memref<1280xi32, #tpu.memory_space<vmem>>)
        tpu.yield
      }) : () -> ()
      %scan3A_15 = arith.constant 0 : i32
      %scan3A_16 = arith.constant 0 : i32
      %scan3A_17 = arith.constant 10 : i32
      %scan3A_18 = arith.addi %scan3A_16, %scan3A_17 : i32
      %scan3A_19 = arith.constant 1 : i32
      %scan3A_20 = scf.for %scan3A_108 = %scan3A_16 to %scan3A_18 step %scan3A_19 iter_args(%scan3A_109 = %scan3A_15) -> (i32)  : i32 {
        %mul3A_110 = arith.constant 128 : i32
        %mul3A_111 = arith.muli %scan3A_108, %mul3A_110 : i32
        %dma_start3A = arith.constant 0 : i32
        %dma_start3A_112 = tpu.memref_slice %arg7[%mul3A_111, %dma_start3A] : memref<1280x32xf32, #tpu.memory_space<vmem>> -> memref<128x32xf32, #tpu.memory_space<vmem>>
        %dma_start3A_113 = tpu.memref_slice %arg6[%mul3A_111] : memref<1280xi32, #tpu.memory_space<vmem>> -> memref<128xi32, #tpu.memory_space<vmem>>
        %dma_start3A_114 = arith.constant 0 : i32
        %dma_start3A_115 = arith.constant 0 : i32
        %dma_start3A_116 = tpu.memref_slice %arg3[%dma_start3A_114, %dma_start3A_115] : memref<1000001x32xf32, #tpu.memory_space<hbm>> -> memref<1000001x32xf32, #tpu.memory_space<hbm>>
        tpu.enqueue_indirect_dma source(%dma_start3A_116 : memref<1000001x32xf32, #tpu.memory_space<hbm>>) target(%dma_start3A_112 : memref<128x32xf32, #tpu.memory_space<vmem>>) offsets(%dma_start3A_113 : memref<128xi32, #tpu.memory_space<vmem>>) semaphore(%arg11 : memref<!tpu.dma_semaphore, #tpu.memory_space<semaphore_mem>>)
        %scan3A_117 = arith.constant 0 : i32
        scf.yield %scan3A_117 : i32
      }
      %scan3A_21 = arith.constant 10 : i32
      %dma_wait3A = arith.constant 0 : i32
      %dma_wait3A_22 = arith.constant 0 : i32
      %dma_wait3A_23 = tpu.memref_slice %arg7[%dma_wait3A, %dma_wait3A_22] : memref<1280x32xf32, #tpu.memory_space<vmem>> -> memref<128x32xf32, #tpu.memory_space<vmem>>
      %dma_wait3A_24 = arith.constant 0 : i32
      %dma_wait3A_25 = tpu.memref_slice %arg6[%dma_wait3A_24] : memref<1280xi32, #tpu.memory_space<vmem>> -> memref<128xi32, #tpu.memory_space<vmem>>
      %dma_wait3A_26 = arith.constant 0 : i32
      %dma_wait3A_27 = arith.constant 0 : i32
      %dma_wait3A_28 = tpu.memref_slice %arg3[%dma_wait3A_26, %dma_wait3A_27] : memref<1000001x32xf32, #tpu.memory_space<hbm>> -> memref<1000001x32xf32, #tpu.memory_space<hbm>>
      tpu.wait_indirect_dma semaphore(%arg11 : memref<!tpu.dma_semaphore, #tpu.memory_space<semaphore_mem>>) src(%dma_wait3A_28 : memref<1000001x32xf32, #tpu.memory_space<hbm>>) dst(%dma_wait3A_23 : memref<128x32xf32, #tpu.memory_space<vmem>>)
      %dma_wait3A_29 = arith.constant 0 : i32
      %dma_wait3A_30 = arith.constant 0 : i32
      %dma_wait3A_31 = tpu.memref_slice %arg7[%dma_wait3A_29, %dma_wait3A_30] : memref<1280x32xf32, #tpu.memory_space<vmem>> -> memref<128x32xf32, #tpu.memory_space<vmem>>
      %dma_wait3A_32 = arith.constant 0 : i32
      %dma_wait3A_33 = tpu.memref_slice %arg6[%dma_wait3A_32] : memref<1280xi32, #tpu.memory_space<vmem>> -> memref<128xi32, #tpu.memory_space<vmem>>
      %dma_wait3A_34 = arith.constant 0 : i32
      %dma_wait3A_35 = arith.constant 0 : i32
      %dma_wait3A_36 = tpu.memref_slice %arg3[%dma_wait3A_34, %dma_wait3A_35] : memref<1000001x32xf32, #tpu.memory_space<hbm>> -> memref<1000001x32xf32, #tpu.memory_space<hbm>>
      tpu.wait_indirect_dma semaphore(%arg11 : memref<!tpu.dma_semaphore, #tpu.memory_space<semaphore_mem>>) src(%dma_wait3A_36 : memref<1000001x32xf32, #tpu.memory_space<hbm>>) dst(%dma_wait3A_31 : memref<128x32xf32, #tpu.memory_space<vmem>>)
      %dma_wait3A_37 = arith.constant 0 : i32
      %dma_wait3A_38 = arith.constant 0 : i32
      %dma_wait3A_39 = tpu.memref_slice %arg7[%dma_wait3A_37, %dma_wait3A_38] : memref<1280x32xf32, #tpu.memory_space<vmem>> -> memref<128x32xf32, #tpu.memory_space<vmem>>
      %dma_wait3A_40 = arith.constant 0 : i32
      %dma_wait3A_41 = tpu.memref_slice %arg6[%dma_wait3A_40] : memref<1280xi32, #tpu.memory_space<vmem>> -> memref<128xi32, #tpu.memory_space<vmem>>
      %dma_wait3A_42 = arith.constant 0 : i32
      %dma_wait3A_43 = arith.constant 0 : i32
      %dma_wait3A_44 = tpu.memref_slice %arg3[%dma_wait3A_42, %dma_wait3A_43] : memref<1000001x32xf32, #tpu.memory_space<hbm>> -> memref<1000001x32xf32, #tpu.memory_space<hbm>>
      tpu.wait_indirect_dma semaphore(%arg11 : memref<!tpu.dma_semaphore, #tpu.memory_space<semaphore_mem>>) src(%dma_wait3A_44 : memref<1000001x32xf32, #tpu.memory_space<hbm>>) dst(%dma_wait3A_39 : memref<128x32xf32, #tpu.memory_space<vmem>>)
      %dma_wait3A_45 = arith.constant 0 : i32
      %dma_wait3A_46 = arith.constant 0 : i32
      %dma_wait3A_47 = tpu.memref_slice %arg7[%dma_wait3A_45, %dma_wait3A_46] : memref<1280x32xf32, #tpu.memory_space<vmem>> -> memref<128x32xf32, #tpu.memory_space<vmem>>
      %dma_wait3A_48 = arith.constant 0 : i32
      %dma_wait3A_49 = tpu.memref_slice %arg6[%dma_wait3A_48] : memref<1280xi32, #tpu.memory_space<vmem>> -> memref<128xi32, #tpu.memory_space<vmem>>
      %dma_wait3A_50 = arith.constant 0 : i32
      %dma_wait3A_51 = arith.constant 0 : i32
      %dma_wait3A_52 = tpu.memref_slice %arg3[%dma_wait3A_50, %dma_wait3A_51] : memref<1000001x32xf32, #tpu.memory_space<hbm>> -> memref<1000001x32xf32, #tpu.memory_space<hbm>>
      tpu.wait_indirect_dma semaphore(%arg11 : memref<!tpu.dma_semaphore, #tpu.memory_space<semaphore_mem>>) src(%dma_wait3A_52 : memref<1000001x32xf32, #tpu.memory_space<hbm>>) dst(%dma_wait3A_47 : memref<128x32xf32, #tpu.memory_space<vmem>>)
      %dma_wait3A_53 = arith.constant 0 : i32
      %dma_wait3A_54 = arith.constant 0 : i32
      %dma_wait3A_55 = tpu.memref_slice %arg7[%dma_wait3A_53, %dma_wait3A_54] : memref<1280x32xf32, #tpu.memory_space<vmem>> -> memref<128x32xf32, #tpu.memory_space<vmem>>
      %dma_wait3A_56 = arith.constant 0 : i32
      %dma_wait3A_57 = tpu.memref_slice %arg6[%dma_wait3A_56] : memref<1280xi32, #tpu.memory_space<vmem>> -> memref<128xi32, #tpu.memory_space<vmem>>
      %dma_wait3A_58 = arith.constant 0 : i32
      %dma_wait3A_59 = arith.constant 0 : i32
      %dma_wait3A_60 = tpu.memref_slice %arg3[%dma_wait3A_58, %dma_wait3A_59] : memref<1000001x32xf32, #tpu.memory_space<hbm>> -> memref<1000001x32xf32, #tpu.memory_space<hbm>>
      tpu.wait_indirect_dma semaphore(%arg11 : memref<!tpu.dma_semaphore, #tpu.memory_space<semaphore_mem>>) src(%dma_wait3A_60 : memref<1000001x32xf32, #tpu.memory_space<hbm>>) dst(%dma_wait3A_55 : memref<128x32xf32, #tpu.memory_space<vmem>>)
      %dma_wait3A_61 = arith.constant 0 : i32
      %dma_wait3A_62 = arith.constant 0 : i32
      %dma_wait3A_63 = tpu.memref_slice %arg7[%dma_wait3A_61, %dma_wait3A_62] : memref<1280x32xf32, #tpu.memory_space<vmem>> -> memref<128x32xf32, #tpu.memory_space<vmem>>
      %dma_wait3A_64 = arith.constant 0 : i32
      %dma_wait3A_65 = tpu.memref_slice %arg6[%dma_wait3A_64] : memref<1280xi32, #tpu.memory_space<vmem>> -> memref<128xi32, #tpu.memory_space<vmem>>
      %dma_wait3A_66 = arith.constant 0 : i32
      %dma_wait3A_67 = arith.constant 0 : i32
      %dma_wait3A_68 = tpu.memref_slice %arg3[%dma_wait3A_66, %dma_wait3A_67] : memref<1000001x32xf32, #tpu.memory_space<hbm>> -> memref<1000001x32xf32, #tpu.memory_space<hbm>>
      tpu.wait_indirect_dma semaphore(%arg11 : memref<!tpu.dma_semaphore, #tpu.memory_space<semaphore_mem>>) src(%dma_wait3A_68 : memref<1000001x32xf32, #tpu.memory_space<hbm>>) dst(%dma_wait3A_63 : memref<128x32xf32, #tpu.memory_space<vmem>>)
      %dma_wait3A_69 = arith.constant 0 : i32
      %dma_wait3A_70 = arith.constant 0 : i32
      %dma_wait3A_71 = tpu.memref_slice %arg7[%dma_wait3A_69, %dma_wait3A_70] : memref<1280x32xf32, #tpu.memory_space<vmem>> -> memref<128x32xf32, #tpu.memory_space<vmem>>
      %dma_wait3A_72 = arith.constant 0 : i32
      %dma_wait3A_73 = tpu.memref_slice %arg6[%dma_wait3A_72] : memref<1280xi32, #tpu.memory_space<vmem>> -> memref<128xi32, #tpu.memory_space<vmem>>
      %dma_wait3A_74 = arith.constant 0 : i32
      %dma_wait3A_75 = arith.constant 0 : i32
      %dma_wait3A_76 = tpu.memref_slice %arg3[%dma_wait3A_74, %dma_wait3A_75] : memref<1000001x32xf32, #tpu.memory_space<hbm>> -> memref<1000001x32xf32, #tpu.memory_space<hbm>>
      tpu.wait_indirect_dma semaphore(%arg11 : memref<!tpu.dma_semaphore, #tpu.memory_space<semaphore_mem>>) src(%dma_wait3A_76 : memref<1000001x32xf32, #tpu.memory_space<hbm>>) dst(%dma_wait3A_71 : memref<128x32xf32, #tpu.memory_space<vmem>>)
      %dma_wait3A_77 = arith.constant 0 : i32
      %dma_wait3A_78 = arith.constant 0 : i32
      %dma_wait3A_79 = tpu.memref_slice %arg7[%dma_wait3A_77, %dma_wait3A_78] : memref<1280x32xf32, #tpu.memory_space<vmem>> -> memref<128x32xf32, #tpu.memory_space<vmem>>
      %dma_wait3A_80 = arith.constant 0 : i32
      %dma_wait3A_81 = tpu.memref_slice %arg6[%dma_wait3A_80] : memref<1280xi32, #tpu.memory_space<vmem>> -> memref<128xi32, #tpu.memory_space<vmem>>
      %dma_wait3A_82 = arith.constant 0 : i32
      %dma_wait3A_83 = arith.constant 0 : i32
      %dma_wait3A_84 = tpu.memref_slice %arg3[%dma_wait3A_82, %dma_wait3A_83] : memref<1000001x32xf32, #tpu.memory_space<hbm>> -> memref<1000001x32xf32, #tpu.memory_space<hbm>>
      tpu.wait_indirect_dma semaphore(%arg11 : memref<!tpu.dma_semaphore, #tpu.memory_space<semaphore_mem>>) src(%dma_wait3A_84 : memref<1000001x32xf32, #tpu.memory_space<hbm>>) dst(%dma_wait3A_79 : memref<128x32xf32, #tpu.memory_space<vmem>>)
      %dma_wait3A_85 = arith.constant 0 : i32
      %dma_wait3A_86 = arith.constant 0 : i32
      %dma_wait3A_87 = tpu.memref_slice %arg7[%dma_wait3A_85, %dma_wait3A_86] : memref<1280x32xf32, #tpu.memory_space<vmem>> -> memref<128x32xf32, #tpu.memory_space<vmem>>
      %dma_wait3A_88 = arith.constant 0 : i32
      %dma_wait3A_89 = tpu.memref_slice %arg6[%dma_wait3A_88] : memref<1280xi32, #tpu.memory_space<vmem>> -> memref<128xi32, #tpu.memory_space<vmem>>
      %dma_wait3A_90 = arith.constant 0 : i32
      %dma_wait3A_91 = arith.constant 0 : i32
      %dma_wait3A_92 = tpu.memref_slice %arg3[%dma_wait3A_90, %dma_wait3A_91] : memref<1000001x32xf32, #tpu.memory_space<hbm>> -> memref<1000001x32xf32, #tpu.memory_space<hbm>>
      tpu.wait_indirect_dma semaphore(%arg11 : memref<!tpu.dma_semaphore, #tpu.memory_space<semaphore_mem>>) src(%dma_wait3A_92 : memref<1000001x32xf32, #tpu.memory_space<hbm>>) dst(%dma_wait3A_87 : memref<128x32xf32, #tpu.memory_space<vmem>>)
      %dma_wait3A_93 = arith.constant 0 : i32
      %dma_wait3A_94 = arith.constant 0 : i32
      %dma_wait3A_95 = tpu.memref_slice %arg7[%dma_wait3A_93, %dma_wait3A_94] : memref<1280x32xf32, #tpu.memory_space<vmem>> -> memref<128x32xf32, #tpu.memory_space<vmem>>
      %dma_wait3A_96 = arith.constant 0 : i32
      %dma_wait3A_97 = tpu.memref_slice %arg6[%dma_wait3A_96] : memref<1280xi32, #tpu.memory_space<vmem>> -> memref<128xi32, #tpu.memory_space<vmem>>
      %dma_wait3A_98 = arith.constant 0 : i32
      %dma_wait3A_99 = arith.constant 0 : i32
      %dma_wait3A_100 = tpu.memref_slice %arg3[%dma_wait3A_98, %dma_wait3A_99] : memref<1000001x32xf32, #tpu.memory_space<hbm>> -> memref<1000001x32xf32, #tpu.memory_space<hbm>>
      tpu.wait_indirect_dma semaphore(%arg11 : memref<!tpu.dma_semaphore, #tpu.memory_space<semaphore_mem>>) src(%dma_wait3A_100 : memref<1000001x32xf32, #tpu.memory_space<hbm>>) dst(%dma_wait3A_95 : memref<128x32xf32, #tpu.memory_space<vmem>>)
      %scan3A_101 = arith.constant 0 : i32
      %scan3A_102 = arith.constant 0 : i32
      %scan3A_103 = arith.constant 4 : i32
      %scan3A_104 = arith.addi %scan3A_102, %scan3A_103 : i32
      %scan3A_105 = arith.constant 1 : i32
      %scan3A_106 = scf.for %scan3A_108 = %scan3A_102 to %scan3A_104 step %scan3A_105 iter_args(%scan3A_109 = %scan3A_101) -> (i32)  : i32 {
        %mul3A_110 = arith.constant 320 : i32
        %mul3A_111 = arith.muli %scan3A_108, %mul3A_110 : i32
        %mul3A_112 = arith.constant 20 : i32
        %mul3A_113 = vector.broadcast %mul3A_112 : i32 to vector<16xi32>
        %mul3A_114 = arith.muli %iota3A, %mul3A_113 : vector<16xi32>
        %add3A_115 = vector.broadcast %mul3A_111 : i32 to vector<16xi32>
        %add3A_116 = arith.addi %add3A_115, %mul3A_114 : vector<16xi32>
        %add3A_117 = arith.constant 0 : i32
        %add3A_118 = vector.broadcast %add3A_117 : i32 to vector<16xi32>
        %add3A_119 = arith.addi %add3A_116, %add3A_118 : vector<16xi32>
        %add3A_120 = arith.constant 1 : i32
        %add3A_121 = vector.broadcast %add3A_120 : i32 to vector<16xi32>
        %add3A_122 = arith.addi %add3A_116, %add3A_121 : vector<16xi32>
        %add3A_123 = arith.constant 2 : i32
        %add3A_124 = vector.broadcast %add3A_123 : i32 to vector<16xi32>
        %add3A_125 = arith.addi %add3A_116, %add3A_124 : vector<16xi32>
        %add3A_126 = arith.constant 3 : i32
        %add3A_127 = vector.broadcast %add3A_126 : i32 to vector<16xi32>
        %add3A_128 = arith.addi %add3A_116, %add3A_127 : vector<16xi32>
        %add3A_129 = arith.constant 4 : i32
        %add3A_130 = vector.broadcast %add3A_129 : i32 to vector<16xi32>
        %add3A_131 = arith.addi %add3A_116, %add3A_130 : vector<16xi32>
        %add3A_132 = arith.constant 5 : i32
        %add3A_133 = vector.broadcast %add3A_132 : i32 to vector<16xi32>
        %add3A_134 = arith.addi %add3A_116, %add3A_133 : vector<16xi32>
        %add3A_135 = arith.constant 6 : i32
        %add3A_136 = vector.broadcast %add3A_135 : i32 to vector<16xi32>
        %add3A_137 = arith.addi %add3A_116, %add3A_136 : vector<16xi32>
        %add3A_138 = arith.constant 7 : i32
        %add3A_139 = vector.broadcast %add3A_138 : i32 to vector<16xi32>
        %add3A_140 = arith.addi %add3A_116, %add3A_139 : vector<16xi32>
        %add3A_141 = arith.constant 8 : i32
        %add3A_142 = vector.broadcast %add3A_141 : i32 to vector<16xi32>
        %add3A_143 = arith.addi %add3A_116, %add3A_142 : vector<16xi32>
        %add3A_144 = arith.constant 9 : i32
        %add3A_145 = vector.broadcast %add3A_144 : i32 to vector<16xi32>
        %add3A_146 = arith.addi %add3A_116, %add3A_145 : vector<16xi32>
        %add3A_147 = arith.constant 10 : i32
        %add3A_148 = vector.broadcast %add3A_147 : i32 to vector<16xi32>
        %add3A_149 = arith.addi %add3A_116, %add3A_148 : vector<16xi32>
        %add3A_150 = arith.constant 11 : i32
        %add3A_151 = vector.broadcast %add3A_150 : i32 to vector<16xi32>
        %add3A_152 = arith.addi %add3A_116, %add3A_151 : vector<16xi32>
        %add3A_153 = arith.constant 12 : i32
        %add3A_154 = vector.broadcast %add3A_153 : i32 to vector<16xi32>
        %add3A_155 = arith.addi %add3A_116, %add3A_154 : vector<16xi32>
        %add3A_156 = arith.constant 13 : i32
        %add3A_157 = vector.broadcast %add3A_156 : i32 to vector<16xi32>
        %add3A_158 = arith.addi %add3A_116, %add3A_157 : vector<16xi32>
        %add3A_159 = arith.constant 14 : i32
        %add3A_160 = vector.broadcast %add3A_159 : i32 to vector<16xi32>
        %add3A_161 = arith.addi %add3A_116, %add3A_160 : vector<16xi32>
        %add3A_162 = arith.constant 15 : i32
        %add3A_163 = vector.broadcast %add3A_162 : i32 to vector<16xi32>
        %add3A_164 = arith.addi %add3A_116, %add3A_163 : vector<16xi32>
        %add3A_165 = arith.constant 16 : i32
        %add3A_166 = vector.broadcast %add3A_165 : i32 to vector<16xi32>
        %add3A_167 = arith.addi %add3A_116, %add3A_166 : vector<16xi32>
        %add3A_168 = arith.constant 17 : i32
        %add3A_169 = vector.broadcast %add3A_168 : i32 to vector<16xi32>
        %add3A_170 = arith.addi %add3A_116, %add3A_169 : vector<16xi32>
        %add3A_171 = arith.constant 18 : i32
        %add3A_172 = vector.broadcast %add3A_171 : i32 to vector<16xi32>
        %add3A_173 = arith.addi %add3A_116, %add3A_172 : vector<16xi32>
        %add3A_174 = arith.constant 19 : i32
        %add3A_175 = vector.broadcast %add3A_174 : i32 to vector<16xi32>
        %add3A_176 = arith.addi %add3A_116, %add3A_175 : vector<16xi32>
        %broadcast_in_dim3A = arith.constant 0.000000e+00 : f32
        %broadcast_in_dim3A_177 = vector.broadcast %broadcast_in_dim3A : f32 to vector<16xf32>
        %gather3A = tpu.vector_load_idx %arg6[%add3A_119] : memref<1280xi32, #tpu.memory_space<vmem>>[vector<16xi32>], vector<16xi32>,
        %eq3A = arith.constant 0 : i32
        %eq3A_178 = vector.broadcast %eq3A : i32 to vector<16xi32>
        %eq3A_179 = arith.cmpi eq, %gather3A, %eq3A_178 : vector<16xi32>
        %jit3A = arith.constant 1.000000e+00 : f32
        %jit3A_180 = arith.constant 0.000000e+00 : f32
        %broadcast_in_dim3A_181 = vector.broadcast %jit3A : f32 to vector<16xf32>
        %broadcast_in_dim3A_182 = vector.broadcast %jit3A_180 : f32 to vector<16xf32>
        %select_n3A = arith.select %eq3A_179, %broadcast_in_dim3A_181, %broadcast_in_dim3A_182 : vector<16xi1>, vector<16xf32>
        %add3A_183 = arith.addf %broadcast_in_dim3A_177, %select_n3A : vector<16xf32>
        %gather3A_184 = tpu.vector_load_idx %arg6[%add3A_122] : memref<1280xi32, #tpu.memory_space<vmem>>[vector<16xi32>], vector<16xi32>,
        %eq3A_185 = arith.constant 0 : i32
        %eq3A_186 = vector.broadcast %eq3A_185 : i32 to vector<16xi32>
        %eq3A_187 = arith.cmpi eq, %gather3A_184, %eq3A_186 : vector<16xi32>
        %jit3A_188 = arith.constant 1.000000e+00 : f32
        %jit3A_189 = arith.constant 0.000000e+00 : f32
        %broadcast_in_dim3A_190 = vector.broadcast %jit3A_188 : f32 to vector<16xf32>
        %broadcast_in_dim3A_191 = vector.broadcast %jit3A_189 : f32 to vector<16xf32>
        %select_n3A_192 = arith.select %eq3A_187, %broadcast_in_dim3A_190, %broadcast_in_dim3A_191 : vector<16xi1>, vector<16xf32>
        %add3A_193 = arith.addf %add3A_183, %select_n3A_192 : vector<16xf32>
        %gather3A_194 = tpu.vector_load_idx %arg6[%add3A_125] : memref<1280xi32, #tpu.memory_space<vmem>>[vector<16xi32>], vector<16xi32>,
        %eq3A_195 = arith.constant 0 : i32
        %eq3A_196 = vector.broadcast %eq3A_195 : i32 to vector<16xi32>
        %eq3A_197 = arith.cmpi eq, %gather3A_194, %eq3A_196 : vector<16xi32>
        %jit3A_198 = arith.constant 1.000000e+00 : f32
        %jit3A_199 = arith.constant 0.000000e+00 : f32
        %broadcast_in_dim3A_200 = vector.broadcast %jit3A_198 : f32 to vector<16xf32>
        %broadcast_in_dim3A_201 = vector.broadcast %jit3A_199 : f32 to vector<16xf32>
        %select_n3A_202 = arith.select %eq3A_197, %broadcast_in_dim3A_200, %broadcast_in_dim3A_201 : vector<16xi1>, vector<16xf32>
        %add3A_203 = arith.addf %add3A_193, %select_n3A_202 : vector<16xf32>
        %gather3A_204 = tpu.vector_load_idx %arg6[%add3A_128] : memref<1280xi32, #tpu.memory_space<vmem>>[vector<16xi32>], vector<16xi32>,
        %eq3A_205 = arith.constant 0 : i32
        %eq3A_206 = vector.broadcast %eq3A_205 : i32 to vector<16xi32>
        %eq3A_207 = arith.cmpi eq, %gather3A_204, %eq3A_206 : vector<16xi32>
        %jit3A_208 = arith.constant 1.000000e+00 : f32
        %jit3A_209 = arith.constant 0.000000e+00 : f32
        %broadcast_in_dim3A_210 = vector.broadcast %jit3A_208 : f32 to vector<16xf32>
        %broadcast_in_dim3A_211 = vector.broadcast %jit3A_209 : f32 to vector<16xf32>
        %select_n3A_212 = arith.select %eq3A_207, %broadcast_in_dim3A_210, %broadcast_in_dim3A_211 : vector<16xi1>, vector<16xf32>
        %add3A_213 = arith.addf %add3A_203, %select_n3A_212 : vector<16xf32>
        %gather3A_214 = tpu.vector_load_idx %arg6[%add3A_131] : memref<1280xi32, #tpu.memory_space<vmem>>[vector<16xi32>], vector<16xi32>,
        %eq3A_215 = arith.constant 0 : i32
        %eq3A_216 = vector.broadcast %eq3A_215 : i32 to vector<16xi32>
        %eq3A_217 = arith.cmpi eq, %gather3A_214, %eq3A_216 : vector<16xi32>
        %jit3A_218 = arith.constant 1.000000e+00 : f32
        %jit3A_219 = arith.constant 0.000000e+00 : f32
        %broadcast_in_dim3A_220 = vector.broadcast %jit3A_218 : f32 to vector<16xf32>
        %broadcast_in_dim3A_221 = vector.broadcast %jit3A_219 : f32 to vector<16xf32>
        %select_n3A_222 = arith.select %eq3A_217, %broadcast_in_dim3A_220, %broadcast_in_dim3A_221 : vector<16xi1>, vector<16xf32>
        %add3A_223 = arith.addf %add3A_213, %select_n3A_222 : vector<16xf32>
        %gather3A_224 = tpu.vector_load_idx %arg6[%add3A_134] : memref<1280xi32, #tpu.memory_space<vmem>>[vector<16xi32>], vector<16xi32>,
        %eq3A_225 = arith.constant 0 : i32
        %eq3A_226 = vector.broadcast %eq3A_225 : i32 to vector<16xi32>
        %eq3A_227 = arith.cmpi eq, %gather3A_224, %eq3A_226 : vector<16xi32>
        %jit3A_228 = arith.constant 1.000000e+00 : f32
        %jit3A_229 = arith.constant 0.000000e+00 : f32
        %broadcast_in_dim3A_230 = vector.broadcast %jit3A_228 : f32 to vector<16xf32>
        %broadcast_in_dim3A_231 = vector.broadcast %jit3A_229 : f32 to vector<16xf32>
        %select_n3A_232 = arith.select %eq3A_227, %broadcast_in_dim3A_230, %broadcast_in_dim3A_231 : vector<16xi1>, vector<16xf32>
        %add3A_233 = arith.addf %add3A_223, %select_n3A_232 : vector<16xf32>
        %gather3A_234 = tpu.vector_load_idx %arg6[%add3A_137] : memref<1280xi32, #tpu.memory_space<vmem>>[vector<16xi32>], vector<16xi32>,
        %eq3A_235 = arith.constant 0 : i32
        %eq3A_236 = vector.broadcast %eq3A_235 : i32 to vector<16xi32>
        %eq3A_237 = arith.cmpi eq, %gather3A_234, %eq3A_236 : vector<16xi32>
        %jit3A_238 = arith.constant 1.000000e+00 : f32
        %jit3A_239 = arith.constant 0.000000e+00 : f32
        %broadcast_in_dim3A_240 = vector.broadcast %jit3A_238 : f32 to vector<16xf32>
        %broadcast_in_dim3A_241 = vector.broadcast %jit3A_239 : f32 to vector<16xf32>
        %select_n3A_242 = arith.select %eq3A_237, %broadcast_in_dim3A_240, %broadcast_in_dim3A_241 : vector<16xi1>, vector<16xf32>
        %add3A_243 = arith.addf %add3A_233, %select_n3A_242 : vector<16xf32>
        %gather3A_244 = tpu.vector_load_idx %arg6[%add3A_140] : memref<1280xi32, #tpu.memory_space<vmem>>[vector<16xi32>], vector<16xi32>,
        %eq3A_245 = arith.constant 0 : i32
        %eq3A_246 = vector.broadcast %eq3A_245 : i32 to vector<16xi32>
        %eq3A_247 = arith.cmpi eq, %gather3A_244, %eq3A_246 : vector<16xi32>
        %jit3A_248 = arith.constant 1.000000e+00 : f32
        %jit3A_249 = arith.constant 0.000000e+00 : f32
        %broadcast_in_dim3A_250 = vector.broadcast %jit3A_248 : f32 to vector<16xf32>
        %broadcast_in_dim3A_251 = vector.broadcast %jit3A_249 : f32 to vector<16xf32>
        %select_n3A_252 = arith.select %eq3A_247, %broadcast_in_dim3A_250, %broadcast_in_dim3A_251 : vector<16xi1>, vector<16xf32>
        %add3A_253 = arith.addf %add3A_243, %select_n3A_252 : vector<16xf32>
        %gather3A_254 = tpu.vector_load_idx %arg6[%add3A_143] : memref<1280xi32, #tpu.memory_space<vmem>>[vector<16xi32>], vector<16xi32>,
        %eq3A_255 = arith.constant 0 : i32
        %eq3A_256 = vector.broadcast %eq3A_255 : i32 to vector<16xi32>
        %eq3A_257 = arith.cmpi eq, %gather3A_254, %eq3A_256 : vector<16xi32>
        %jit3A_258 = arith.constant 1.000000e+00 : f32
        %jit3A_259 = arith.constant 0.000000e+00 : f32
        %broadcast_in_dim3A_260 = vector.broadcast %jit3A_258 : f32 to vector<16xf32>
        %broadcast_in_dim3A_261 = vector.broadcast %jit3A_259 : f32 to vector<16xf32>
        %select_n3A_262 = arith.select %eq3A_257, %broadcast_in_dim3A_260, %broadcast_in_dim3A_261 : vector<16xi1>, vector<16xf32>
        %add3A_263 = arith.addf %add3A_253, %select_n3A_262 : vector<16xf32>
        %gather3A_264 = tpu.vector_load_idx %arg6[%add3A_146] : memref<1280xi32, #tpu.memory_space<vmem>>[vector<16xi32>], vector<16xi32>,
        %eq3A_265 = arith.constant 0 : i32
        %eq3A_266 = vector.broadcast %eq3A_265 : i32 to vector<16xi32>
        %eq3A_267 = arith.cmpi eq, %gather3A_264, %eq3A_266 : vector<16xi32>
        %jit3A_268 = arith.constant 1.000000e+00 : f32
        %jit3A_269 = arith.constant 0.000000e+00 : f32
        %broadcast_in_dim3A_270 = vector.broadcast %jit3A_268 : f32 to vector<16xf32>
        %broadcast_in_dim3A_271 = vector.broadcast %jit3A_269 : f32 to vector<16xf32>
        %select_n3A_272 = arith.select %eq3A_267, %broadcast_in_dim3A_270, %broadcast_in_dim3A_271 : vector<16xi1>, vector<16xf32>
        %add3A_273 = arith.addf %add3A_263, %select_n3A_272 : vector<16xf32>
        %gather3A_274 = tpu.vector_load_idx %arg6[%add3A_149] : memref<1280xi32, #tpu.memory_space<vmem>>[vector<16xi32>], vector<16xi32>,
        %eq3A_275 = arith.constant 0 : i32
        %eq3A_276 = vector.broadcast %eq3A_275 : i32 to vector<16xi32>
        %eq3A_277 = arith.cmpi eq, %gather3A_274, %eq3A_276 : vector<16xi32>
        %jit3A_278 = arith.constant 1.000000e+00 : f32
        %jit3A_279 = arith.constant 0.000000e+00 : f32
        %broadcast_in_dim3A_280 = vector.broadcast %jit3A_278 : f32 to vector<16xf32>
        %broadcast_in_dim3A_281 = vector.broadcast %jit3A_279 : f32 to vector<16xf32>
        %select_n3A_282 = arith.select %eq3A_277, %broadcast_in_dim3A_280, %broadcast_in_dim3A_281 : vector<16xi1>, vector<16xf32>
        %add3A_283 = arith.addf %add3A_273, %select_n3A_282 : vector<16xf32>
        %gather3A_284 = tpu.vector_load_idx %arg6[%add3A_152] : memref<1280xi32, #tpu.memory_space<vmem>>[vector<16xi32>], vector<16xi32>,
        %eq3A_285 = arith.constant 0 : i32
        %eq3A_286 = vector.broadcast %eq3A_285 : i32 to vector<16xi32>
        %eq3A_287 = arith.cmpi eq, %gather3A_284, %eq3A_286 : vector<16xi32>
        %jit3A_288 = arith.constant 1.000000e+00 : f32
        %jit3A_289 = arith.constant 0.000000e+00 : f32
        %broadcast_in_dim3A_290 = vector.broadcast %jit3A_288 : f32 to vector<16xf32>
        %broadcast_in_dim3A_291 = vector.broadcast %jit3A_289 : f32 to vector<16xf32>
        %select_n3A_292 = arith.select %eq3A_287, %broadcast_in_dim3A_290, %broadcast_in_dim3A_291 : vector<16xi1>, vector<16xf32>
        %add3A_293 = arith.addf %add3A_283, %select_n3A_292 : vector<16xf32>
        %gather3A_294 = tpu.vector_load_idx %arg6[%add3A_155] : memref<1280xi32, #tpu.memory_space<vmem>>[vector<16xi32>], vector<16xi32>,
        %eq3A_295 = arith.constant 0 : i32
        %eq3A_296 = vector.broadcast %eq3A_295 : i32 to vector<16xi32>
        %eq3A_297 = arith.cmpi eq, %gather3A_294, %eq3A_296 : vector<16xi32>
        %jit3A_298 = arith.constant 1.000000e+00 : f32
        %jit3A_299 = arith.constant 0.000000e+00 : f32
        %broadcast_in_dim3A_300 = vector.broadcast %jit3A_298 : f32 to vector<16xf32>
        %broadcast_in_dim3A_301 = vector.broadcast %jit3A_299 : f32 to vector<16xf32>
        %select_n3A_302 = arith.select %eq3A_297, %broadcast_in_dim3A_300, %broadcast_in_dim3A_301 : vector<16xi1>, vector<16xf32>
        %add3A_303 = arith.addf %add3A_293, %select_n3A_302 : vector<16xf32>
        %gather3A_304 = tpu.vector_load_idx %arg6[%add3A_158] : memref<1280xi32, #tpu.memory_space<vmem>>[vector<16xi32>], vector<16xi32>,
        %eq3A_305 = arith.constant 0 : i32
        %eq3A_306 = vector.broadcast %eq3A_305 : i32 to vector<16xi32>
        %eq3A_307 = arith.cmpi eq, %gather3A_304, %eq3A_306 : vector<16xi32>
        %jit3A_308 = arith.constant 1.000000e+00 : f32
        %jit3A_309 = arith.constant 0.000000e+00 : f32
        %broadcast_in_dim3A_310 = vector.broadcast %jit3A_308 : f32 to vector<16xf32>
        %broadcast_in_dim3A_311 = vector.broadcast %jit3A_309 : f32 to vector<16xf32>
        %select_n3A_312 = arith.select %eq3A_307, %broadcast_in_dim3A_310, %broadcast_in_dim3A_311 : vector<16xi1>, vector<16xf32>
        %add3A_313 = arith.addf %add3A_303, %select_n3A_312 : vector<16xf32>
        %gather3A_314 = tpu.vector_load_idx %arg6[%add3A_161] : memref<1280xi32, #tpu.memory_space<vmem>>[vector<16xi32>], vector<16xi32>,
        %eq3A_315 = arith.constant 0 : i32
        %eq3A_316 = vector.broadcast %eq3A_315 : i32 to vector<16xi32>
        %eq3A_317 = arith.cmpi eq, %gather3A_314, %eq3A_316 : vector<16xi32>
        %jit3A_318 = arith.constant 1.000000e+00 : f32
        %jit3A_319 = arith.constant 0.000000e+00 : f32
        %broadcast_in_dim3A_320 = vector.broadcast %jit3A_318 : f32 to vector<16xf32>
        %broadcast_in_dim3A_321 = vector.broadcast %jit3A_319 : f32 to vector<16xf32>
        %select_n3A_322 = arith.select %eq3A_317, %broadcast_in_dim3A_320, %broadcast_in_dim3A_321 : vector<16xi1>, vector<16xf32>
        %add3A_323 = arith.addf %add3A_313, %select_n3A_322 : vector<16xf32>
        %gather3A_324 = tpu.vector_load_idx %arg6[%add3A_164] : memref<1280xi32, #tpu.memory_space<vmem>>[vector<16xi32>], vector<16xi32>,
        %eq3A_325 = arith.constant 0 : i32
        %eq3A_326 = vector.broadcast %eq3A_325 : i32 to vector<16xi32>
        %eq3A_327 = arith.cmpi eq, %gather3A_324, %eq3A_326 : vector<16xi32>
        %jit3A_328 = arith.constant 1.000000e+00 : f32
        %jit3A_329 = arith.constant 0.000000e+00 : f32
        %broadcast_in_dim3A_330 = vector.broadcast %jit3A_328 : f32 to vector<16xf32>
        %broadcast_in_dim3A_331 = vector.broadcast %jit3A_329 : f32 to vector<16xf32>
        %select_n3A_332 = arith.select %eq3A_327, %broadcast_in_dim3A_330, %broadcast_in_dim3A_331 : vector<16xi1>, vector<16xf32>
        %add3A_333 = arith.addf %add3A_323, %select_n3A_332 : vector<16xf32>
        %gather3A_334 = tpu.vector_load_idx %arg6[%add3A_167] : memref<1280xi32, #tpu.memory_space<vmem>>[vector<16xi32>], vector<16xi32>,
        %eq3A_335 = arith.constant 0 : i32
        %eq3A_336 = vector.broadcast %eq3A_335 : i32 to vector<16xi32>
        %eq3A_337 = arith.cmpi eq, %gather3A_334, %eq3A_336 : vector<16xi32>
        %jit3A_338 = arith.constant 1.000000e+00 : f32
        %jit3A_339 = arith.constant 0.000000e+00 : f32
        %broadcast_in_dim3A_340 = vector.broadcast %jit3A_338 : f32 to vector<16xf32>
        %broadcast_in_dim3A_341 = vector.broadcast %jit3A_339 : f32 to vector<16xf32>
        %select_n3A_342 = arith.select %eq3A_337, %broadcast_in_dim3A_340, %broadcast_in_dim3A_341 : vector<16xi1>, vector<16xf32>
        %add3A_343 = arith.addf %add3A_333, %select_n3A_342 : vector<16xf32>
        %gather3A_344 = tpu.vector_load_idx %arg6[%add3A_170] : memref<1280xi32, #tpu.memory_space<vmem>>[vector<16xi32>], vector<16xi32>,
        %eq3A_345 = arith.constant 0 : i32
        %eq3A_346 = vector.broadcast %eq3A_345 : i32 to vector<16xi32>
        %eq3A_347 = arith.cmpi eq, %gather3A_344, %eq3A_346 : vector<16xi32>
        %jit3A_348 = arith.constant 1.000000e+00 : f32
        %jit3A_349 = arith.constant 0.000000e+00 : f32
        %broadcast_in_dim3A_350 = vector.broadcast %jit3A_348 : f32 to vector<16xf32>
        %broadcast_in_dim3A_351 = vector.broadcast %jit3A_349 : f32 to vector<16xf32>
        %select_n3A_352 = arith.select %eq3A_347, %broadcast_in_dim3A_350, %broadcast_in_dim3A_351 : vector<16xi1>, vector<16xf32>
        %add3A_353 = arith.addf %add3A_343, %select_n3A_352 : vector<16xf32>
        %gather3A_354 = tpu.vector_load_idx %arg6[%add3A_173] : memref<1280xi32, #tpu.memory_space<vmem>>[vector<16xi32>], vector<16xi32>,
        %eq3A_355 = arith.constant 0 : i32
        %eq3A_356 = vector.broadcast %eq3A_355 : i32 to vector<16xi32>
        %eq3A_357 = arith.cmpi eq, %gather3A_354, %eq3A_356 : vector<16xi32>
        %jit3A_358 = arith.constant 1.000000e+00 : f32
        %jit3A_359 = arith.constant 0.000000e+00 : f32
        %broadcast_in_dim3A_360 = vector.broadcast %jit3A_358 : f32 to vector<16xf32>
        %broadcast_in_dim3A_361 = vector.broadcast %jit3A_359 : f32 to vector<16xf32>
        %select_n3A_362 = arith.select %eq3A_357, %broadcast_in_dim3A_360, %broadcast_in_dim3A_361 : vector<16xi1>, vector<16xf32>
        %add3A_363 = arith.addf %add3A_353, %select_n3A_362 : vector<16xf32>
        %gather3A_364 = tpu.vector_load_idx %arg6[%add3A_176] : memref<1280xi32, #tpu.memory_space<vmem>>[vector<16xi32>], vector<16xi32>,
        %eq3A_365 = arith.constant 0 : i32
        %eq3A_366 = vector.broadcast %eq3A_365 : i32 to vector<16xi32>
        %eq3A_367 = arith.cmpi eq, %gather3A_364, %eq3A_366 : vector<16xi32>
        %jit3A_368 = arith.constant 1.000000e+00 : f32
        %jit3A_369 = arith.constant 0.000000e+00 : f32
        %broadcast_in_dim3A_370 = vector.broadcast %jit3A_368 : f32 to vector<16xf32>
        %broadcast_in_dim3A_371 = vector.broadcast %jit3A_369 : f32 to vector<16xf32>
        %select_n3A_372 = arith.select %eq3A_367, %broadcast_in_dim3A_370, %broadcast_in_dim3A_371 : vector<16xi1>, vector<16xf32>
        %add3A_373 = arith.addf %add3A_363, %select_n3A_372 : vector<16xf32>
        %broadcast_in_dim3A_374 = arith.constant 0.000000e+00 : f32
        %broadcast_in_dim3A_375 = vector.broadcast %broadcast_in_dim3A_374 : f32 to vector<16xf32>
        %scan3A_376 = arith.constant 0 : i32
        %scan3A_377 = arith.constant 32 : i32
        %scan3A_378 = arith.addi %scan3A_376, %scan3A_377 : i32
        %scan3A_379 = arith.constant 1 : i32
        %scan3A_380 = scf.for %scan3A_400 = %scan3A_376 to %scan3A_378 step %scan3A_379 iter_args(%scan3A_401 = %broadcast_in_dim3A_375) -> (vector<16xf32>)  : i32 {
          %broadcast_in_dim3A_402 = vector.broadcast %scan3A_400 : i32 to vector<16xi32>
          %broadcast_in_dim3A_403 = arith.constant 0.000000e+00 : f32
          %broadcast_in_dim3A_404 = vector.broadcast %broadcast_in_dim3A_403 : f32 to vector<16xf32>
          %gather3A_405 = tpu.vector_load_idx %arg7[%add3A_119, %broadcast_in_dim3A_402] : memref<1280x32xf32, #tpu.memory_space<vmem>>[vector<16xi32>, vector<16xi32>], vector<16xf32>,
          %add3A_406 = arith.addf %broadcast_in_dim3A_404, %gather3A_405 : vector<16xf32>
          %gather3A_407 = tpu.vector_load_idx %arg7[%add3A_122, %broadcast_in_dim3A_402] : memref<1280x32xf32, #tpu.memory_space<vmem>>[vector<16xi32>, vector<16xi32>], vector<16xf32>,
          %add3A_408 = arith.addf %add3A_406, %gather3A_407 : vector<16xf32>
          %gather3A_409 = tpu.vector_load_idx %arg7[%add3A_125, %broadcast_in_dim3A_402] : memref<1280x32xf32, #tpu.memory_space<vmem>>[vector<16xi32>, vector<16xi32>], vector<16xf32>,
          %add3A_410 = arith.addf %add3A_408, %gather3A_409 : vector<16xf32>
          %gather3A_411 = tpu.vector_load_idx %arg7[%add3A_128, %broadcast_in_dim3A_402] : memref<1280x32xf32, #tpu.memory_space<vmem>>[vector<16xi32>, vector<16xi32>], vector<16xf32>,
          %add3A_412 = arith.addf %add3A_410, %gather3A_411 : vector<16xf32>
          %gather3A_413 = tpu.vector_load_idx %arg7[%add3A_131, %broadcast_in_dim3A_402] : memref<1280x32xf32, #tpu.memory_space<vmem>>[vector<16xi32>, vector<16xi32>], vector<16xf32>,
          %add3A_414 = arith.addf %add3A_412, %gather3A_413 : vector<16xf32>
          %gather3A_415 = tpu.vector_load_idx %arg7[%add3A_134, %broadcast_in_dim3A_402] : memref<1280x32xf32, #tpu.memory_space<vmem>>[vector<16xi32>, vector<16xi32>], vector<16xf32>,
          %add3A_416 = arith.addf %add3A_414, %gather3A_415 : vector<16xf32>
          %gather3A_417 = tpu.vector_load_idx %arg7[%add3A_137, %broadcast_in_dim3A_402] : memref<1280x32xf32, #tpu.memory_space<vmem>>[vector<16xi32>, vector<16xi32>], vector<16xf32>,
          %add3A_418 = arith.addf %add3A_416, %gather3A_417 : vector<16xf32>
          %gather3A_419 = tpu.vector_load_idx %arg7[%add3A_140, %broadcast_in_dim3A_402] : memref<1280x32xf32, #tpu.memory_space<vmem>>[vector<16xi32>, vector<16xi32>], vector<16xf32>,
          %add3A_420 = arith.addf %add3A_418, %gather3A_419 : vector<16xf32>
          %gather3A_421 = tpu.vector_load_idx %arg7[%add3A_143, %broadcast_in_dim3A_402] : memref<1280x32xf32, #tpu.memory_space<vmem>>[vector<16xi32>, vector<16xi32>], vector<16xf32>,
          %add3A_422 = arith.addf %add3A_420, %gather3A_421 : vector<16xf32>
          %gather3A_423 = tpu.vector_load_idx %arg7[%add3A_146, %broadcast_in_dim3A_402] : memref<1280x32xf32, #tpu.memory_space<vmem>>[vector<16xi32>, vector<16xi32>], vector<16xf32>,
          %add3A_424 = arith.addf %add3A_422, %gather3A_423 : vector<16xf32>
          %gather3A_425 = tpu.vector_load_idx %arg7[%add3A_149, %broadcast_in_dim3A_402] : memref<1280x32xf32, #tpu.memory_space<vmem>>[vector<16xi32>, vector<16xi32>], vector<16xf32>,
          %add3A_426 = arith.addf %add3A_424, %gather3A_425 : vector<16xf32>
          %gather3A_427 = tpu.vector_load_idx %arg7[%add3A_152, %broadcast_in_dim3A_402] : memref<1280x32xf32, #tpu.memory_space<vmem>>[vector<16xi32>, vector<16xi32>], vector<16xf32>,
          %add3A_428 = arith.addf %add3A_426, %gather3A_427 : vector<16xf32>
          %gather3A_429 = tpu.vector_load_idx %arg7[%add3A_155, %broadcast_in_dim3A_402] : memref<1280x32xf32, #tpu.memory_space<vmem>>[vector<16xi32>, vector<16xi32>], vector<16xf32>,
          %add3A_430 = arith.addf %add3A_428, %gather3A_429 : vector<16xf32>
          %gather3A_431 = tpu.vector_load_idx %arg7[%add3A_158, %broadcast_in_dim3A_402] : memref<1280x32xf32, #tpu.memory_space<vmem>>[vector<16xi32>, vector<16xi32>], vector<16xf32>,
          %add3A_432 = arith.addf %add3A_430, %gather3A_431 : vector<16xf32>
          %gather3A_433 = tpu.vector_load_idx %arg7[%add3A_161, %broadcast_in_dim3A_402] : memref<1280x32xf32, #tpu.memory_space<vmem>>[vector<16xi32>, vector<16xi32>], vector<16xf32>,
          %add3A_434 = arith.addf %add3A_432, %gather3A_433 : vector<16xf32>
          %gather3A_435 = tpu.vector_load_idx %arg7[%add3A_164, %broadcast_in_dim3A_402] : memref<1280x32xf32, #tpu.memory_space<vmem>>[vector<16xi32>, vector<16xi32>], vector<16xf32>,
          %add3A_436 = arith.addf %add3A_434, %gather3A_435 : vector<16xf32>
          %gather3A_437 = tpu.vector_load_idx %arg7[%add3A_167, %broadcast_in_dim3A_402] : memref<1280x32xf32, #tpu.memory_space<vmem>>[vector<16xi32>, vector<16xi32>], vector<16xf32>,
          %add3A_438 = arith.addf %add3A_436, %gather3A_437 : vector<16xf32>
          %gather3A_439 = tpu.vector_load_idx %arg7[%add3A_170, %broadcast_in_dim3A_402] : memref<1280x32xf32, #tpu.memory_space<vmem>>[vector<16xi32>, vector<16xi32>], vector<16xf32>,
          %add3A_440 = arith.addf %add3A_438, %gather3A_439 : vector<16xf32>
          %gather3A_441 = tpu.vector_load_idx %arg7[%add3A_173, %broadcast_in_dim3A_402] : memref<1280x32xf32, #tpu.memory_space<vmem>>[vector<16xi32>, vector<16xi32>], vector<16xf32>,
          %add3A_442 = arith.addf %add3A_440, %gather3A_441 : vector<16xf32>
          %gather3A_443 = tpu.vector_load_idx %arg7[%add3A_176, %broadcast_in_dim3A_402] : memref<1280x32xf32, #tpu.memory_space<vmem>>[vector<16xi32>, vector<16xi32>], vector<16xf32>,
          %add3A_444 = arith.addf %add3A_442, %gather3A_443 : vector<16xf32>
          %get3A_445 = arith.index_cast %scan3A_400 : i32 to index
          %get3A_446 = tpu.vector_load %arg8[%get3A_445] {strides = array<i32>} : memref<48xf32, #tpu.memory_space<vmem>>, vector<16xf32>,
          %slice3A = vector.extract_strided_slice %get3A_446 {offsets = [0], sizes = [1], strides = [1]} : vector<16xf32> to vector<1xf32>
          %squeeze3A = vector.extract %slice3A[0] : f32 from vector<1xf32>
          %get3A_447 = arith.constant 0 : i32
          %get3A_448 = arith.index_cast %get3A_447 : i32 to index
          %get3A_449 = arith.index_cast %scan3A_400 : i32 to index
          %get3A_450 = tpu.vector_load %arg9[%get3A_448, %get3A_449] {strides = array<i32>} : memref<1x48xf32, #tpu.memory_space<vmem>>, vector<16xf32>,
          %slice3A_451 = vector.extract_strided_slice %get3A_450 {offsets = [0], sizes = [1], strides = [1]} : vector<16xf32> to vector<1xf32>
          %squeeze3A_452 = vector.extract %slice3A_451[0] : f32 from vector<1xf32>
          %mul3A_453 = vector.broadcast %squeeze3A_452 : f32 to vector<16xf32>
          %mul3A_454 = arith.mulf %add3A_373, %mul3A_453 : vector<16xf32>
          %sub3A = arith.subf %add3A_444, %mul3A_454 : vector<16xf32>
          %mul3A_455 = vector.broadcast %squeeze3A : f32 to vector<16xf32>
          %mul3A_456 = arith.mulf %sub3A, %mul3A_455 : vector<16xf32>
          %add3A_457 = arith.addf %scan3A_401, %mul3A_456 : vector<16xf32>
          scf.yield %add3A_457 : vector<16xf32>
        }
        %scan3A_381 = arith.constant 32 : i32
        %mul3A_382 = arith.constant 5.000000e-02 : f32
        %mul3A_383 = vector.broadcast %mul3A_382 : f32 to vector<16xf32>
        %mul3A_384 = arith.mulf %scan3A_380, %mul3A_383 : vector<16xf32>
        %add3A_385 = arith.addf %mul3A_384, %get3A_3 : vector<16xf32>
        %neg3A = arith.constant 0.000000e+00 : f32
        %neg3A_386 = vector.broadcast %neg3A : f32 to vector<16xf32>
        %neg3A_387 = arith.subf %neg3A_386, %add3A_385 : vector<16xf32>
        %exp3A = math.exp %neg3A_387 : vector<16xf32>
        %add3A_388 = arith.constant 1.000000e+00 : f32
        %add3A_389 = vector.broadcast %add3A_388 : f32 to vector<16xf32>
        %add3A_390 = arith.addf %add3A_389, %exp3A : vector<16xf32>
        %div3A = arith.constant 1.000000e+00 : f32
        %div3A_391 = vector.broadcast %div3A : f32 to vector<16xf32>
        %div3A_392 = arith.divf %div3A_391, %add3A_390 : vector<16xf32>
        %mul3A_393 = arith.constant 64 : i32
        %mul3A_394 = arith.muli %scan3A_9, %mul3A_393 : i32
        %mul3A_395 = arith.constant 16 : i32
        %mul3A_396 = arith.muli %scan3A_108, %mul3A_395 : i32
        %add3A_397 = arith.addi %mul3A_394, %mul3A_396 : i32
        %swap3A = arith.index_cast %add3A_397 : i32 to index
        %swap3A_398 = tpu.vector_load %arg10[%swap3A] {strides = array<i32>} : memref<512xf32, #tpu.memory_space<vmem>>, vector<16xf32>,
        tpu.vector_store %arg10[%swap3A], %div3A_392 {strides = array<i32>} : memref<512xf32, #tpu.memory_space<vmem>>, vector<16xf32>,
        %scan3A_399 = arith.constant 0 : i32
        scf.yield %scan3A_399 : i32
      }
      %scan3A_107 = arith.constant 4 : i32
    }
    %scan3A_8 = arith.constant 8 : i32
    "tpu.region"() ({
      %run_scoped3A = tpu.sem_alloc : memref<!tpu.dma_semaphore, #tpu.memory_space<semaphore_mem>>
      %dma_start3A = tpu.memref_slice %arg5[%mul3A_2] : memref<16384xf32, #tpu.memory_space<hbm>> -> memref<512xf32, #tpu.memory_space<hbm>>
      %dma_start3A_9 = tpu.memref_slice %arg5[%mul3A_2] : memref<16384xf32, #tpu.memory_space<hbm>> -> memref<512xf32, #tpu.memory_space<hbm>>
      tpu.enqueue_dma source(%arg10 : memref<512xf32, #tpu.memory_space<vmem>>) target(%dma_start3A_9 : memref<512xf32, #tpu.memory_space<hbm>>) target_semaphore(%run_scoped3A : memref<!tpu.dma_semaphore, #tpu.memory_space<semaphore_mem>>)
      %dma_wait3A = tpu.memref_slice %arg5[%mul3A_2] : memref<16384xf32, #tpu.memory_space<hbm>> -> memref<512xf32, #tpu.memory_space<hbm>>
      %dma_wait3A_10 = tpu.memref_slice %arg5[%mul3A_2] : memref<16384xf32, #tpu.memory_space<hbm>> -> memref<512xf32, #tpu.memory_space<hbm>>
      tpu.wait_dma2 semaphore(%run_scoped3A : memref<!tpu.dma_semaphore, #tpu.memory_space<semaphore_mem>>) src(%arg10 : memref<512xf32, #tpu.memory_space<vmem>>) dst(%dma_wait3A_10 : memref<512xf32, #tpu.memory_space<hbm>>)
      tpu.yield
    }) : () -> ()
    return
  }
}

</mosaic_0001>

<sc_bundles>
// kernel: _run.3.cloned.1.call-start
scs
__scs_entry_jumppad:
0x0: {  	(pc) =	sbr.rel $0x88, $3  }
0x1: {  	(tag) =	ssettag $0x0;
	lr =	simm.s32 $0x1  }
0x2: {  	[smem:$0x3F9E] =	sst lr;
	_ =	strace $0xD0000000  }
0x3: {  	_ = 	snop  }
0x4: {  	_ = 	snop  }
0x5: {  	_ = 	snop  }
0x6: {  	_ = 	snop  }
0x7: {  	_ = 	snop  }
__scs_overlays_trampoline_lowered:
0x8: {  	[smem:$0x3FAD] =	sst s0  }
0x9: {  	[smem:$0x3FAE] =	sst s1  }
0xa: {  	[smem:$0x3FAF] =	sst s2  }
0xb: {  	[smem:$0x3FB0] =	sst s3  }
0xc: {  	[smem:$0x3FB1] =	sst s4  }
0xd: {  	[smem:$0x3FB2] =	sst s5  }
0xe: {  	[smem:$0x3FB3] =	sst s6  }
0xf: {  	[smem:$0x3FB4] =	sst s7  }
0x10: {  	[smem:$0x3FB5] =	sst s8  }
0x11: {  	[smem:$0x3FB6] =	sst s9;
	s0 =	simm.s32 @!p0 $0x0  }
0x12: {  	s1 =	sld [smem:$0x3F9C];
	s0 =	simm.s32 @p0 $0x1  }
0x13: {  	[smem:$0x3FB7] =	sst s0;
	s0 =	simm.s32 @!p1 $0x0  }
0x14: {  	s2 =	sld [smem:$0x3F9B];
	s0 =	simm.s32 @p1 $0x1  }
0x15: {  	[smem:$0x3FB8] =	sst s0;
	s0 =	simm.s32 @!p2 $0x0  }
0x16: {  	s3 =	sld [smem:$0x3FDB];
	s0 =	simm.s32 @p2 $0x1  }
0x17: {  	s4 =	simm.s32 $0x1BF5;
	[smem:$0x3FBA] =	sst s0  }
0x18: {  	s0 =	sld [smem:$0x3F9D];
	_ =	swait.ge [sflag:s4], $0x0  }
0x19: {  	s7 =	sld [smem:$0x3F9E]  }
0x1a: {  	s8 =	sadd.s32 $0xFFFFE003, lr  }
0x1b: {  	s9 =	sadd.s32 $0xFFFFFEF7, lr;
	s5 =	simm.s32 $0xFFFFFFFF;
	p2 =	slt.u32 s8, $0xFFFFF086  }
0x1c: {  	p1 =	slt.u32 s9, $0xF7A;
	s5 =	simm.s32 @!p2 $0x0  }
0x1d: {  	s5 =	simm.s32 @p1 $0x1;
	p0 =	seq.s32 s7, s2  }
0x1e: {  	s7 =	smul.u32 @!p0 $0xF7A, s2;
	p2 =	seq.s32 @!p0 s5, $0x0  }
0x1f: {  	s9 =	smul.u32 $0xF7A, s1;
	s8 =	simm.s32 @!p0 $0x1BF5;
	p2 =	por !p2, p0  }
0x20: {  	[sflag:s8] =	ssyncset.s32 @!p0 $0xFFFFF086;
	s6 =	sadd.s32 @!p0 s3, s7;
	s7 =	simm.s32 @!p0 $0x108  }
0x21: {  	s3 =	sadd.s32 s3, s9;
	s6 =	sadd.s32 @!p0 $0x88, s6;
	s7 =	simm.s32 @p2 $0x1082  }
0x22: {  	[simem:s7], [sflag:s8] =	dma.local @!p0 [hbm:s6], $0xF7A  }
0x23: {  	s9 =	sor.u32 $0xD0000000, s2;
	s6 =	simm.s32 $0x108;
	_ =	swait.ge @!p0 [sflag:s8], $0x0  }
0x24: {  	s3 =	sadd.s32 $0x88, s3;
	s6 =	simm.s32 @!p1 $0x1082;
	[sflag:s4] =	ssyncset.s32 $0xFFFFF086  }
0x25: {  	[simem:s6], [sflag:s4] =	dma.local [hbm:s3], $0xF7A  }
0x26: {  	[smem:$0x3F9E] =	sst s1;
	(tag) =	ssettag s2;
	_ =	strace s9  }
0x27: {  	s1 =	sld [smem:$0x3FAE]  }
0x28: {  	s2 =	sld [smem:$0x3FAF]  }
0x29: {  	s4 =	sld [smem:$0x3FB1]  }
0x2a: {  	p0 =	seq.s32 s5, $0x0;
	s5 =	sld [smem:$0x3FB2]  }
0x2b: {  	s6 =	sld [smem:$0x3FB3]  }
0x2c: {  	s7 =	sld [smem:$0x3FB4]  }
0x2d: {  	s3 =	simm.s32 $0x108;
	s8 =	sld [smem:$0x3FB5]  }
0x2e: {  	s3 =	simm.s32 @!p0 $0x1082;
	s9 =	sld [smem:$0x3FB6]  }
0x2f: {  	lr =	sadd.s32 s0, s3;
	s0 =	sld [smem:$0x3FAD]  }
0x30: {  	s3 =	sld [smem:$0x3FB0]  }
0x31: {  	[smem:$0x3FB9] =	sst s10  }
0x32: {  	s10 =	sld [smem:$0x3FB7];
	_ =	sdelay $0x3  }
0x33: {  	p0 =	seq.s32 s10, $0x1;
	s10 =	sld [smem:$0x3FB9];
	_ =	sdelay $0x3  }
0x34: {  	[smem:$0x3FB9] =	sst s10  }
0x35: {  	s10 =	sld [smem:$0x3FB8];
	_ =	sdelay $0x3  }
0x36: {  	p1 =	seq.s32 s10, $0x1;
	s10 =	sld [smem:$0x3FB9];
	_ =	sdelay $0x3  }
0x37: {  	[smem:$0x3FB9] =	sst s10  }
0x38: {  	s10 =	sld [smem:$0x3FBA]  }
0x39: {  	_ = 	snop;
	(pc) =	sbr.ind lr, $3  }
0x3a: {  	_ = 	snop  }
0x3b: {  	_ = 	snop  }
0x3c: {  	p2 =	seq.s32 s10, $0x1;
	s10 =	sld [smem:$0x3FB9]  }
0x3d: {  	_ =	shalt  }
0x3e: {  	_ =	shalt  }
0x3f: {  	_ =	shalt  }
0x40: {  	_ =	shalt  }
0x41: {  	_ =	shalt  }
0x42: {  	_ =	shalt  }
0x43: {  	_ =	shalt  }
0x44: {  	_ =	shalt  }
0x45: {  	_ =	shalt  }
0x46: {  	_ =	shalt  }
0x47: {  	_ =	shalt  }
0x48: {  	_ =	shalt  }
0x49: {  	_ =	shalt  }
0x4a: {  	_ =	shalt  }
0x4b: {  	_ =	shalt  }
0x4c: {  	_ =	shalt  }
0x4d: {  	_ =	shalt  }
0x4e: {  	_ =	shalt  }
0x4f: {  	_ =	shalt  }
0x50: {  	_ =	shalt  }
0x51: {  	_ =	shalt  }
0x52: {  	_ =	shalt  }
0x53: {  	_ =	shalt  }
0x54: {  	_ =	shalt  }
0x55: {  	_ =	shalt  }
0x56: {  	_ =	shalt  }
0x57: {  	_ =	shalt  }
0x58: {  	_ =	shalt  }
0x59: {  	_ =	shalt  }
0x5a: {  	_ =	shalt  }
0x5b: {  	_ =	shalt  }
0x5c: {  	_ =	shalt  }
0x5d: {  	_ =	shalt  }
0x5e: {  	_ =	shalt  }
0x5f: {  	_ =	shalt  }
0x60: {  	_ =	shalt  }
0x61: {  	_ =	shalt  }
0x62: {  	_ =	shalt  }
0x63: {  	_ =	shalt  }
0x64: {  	_ =	shalt  }
0x65: {  	_ =	shalt  }
0x66: {  	_ =	shalt  }
0x67: {  	_ =	shalt  }
0x68: {  	_ =	shalt  }
0x69: {  	_ =	shalt  }
0x6a: {  	_ =	shalt  }
0x6b: {  	_ =	shalt  }
0x6c: {  	_ =	shalt  }
0x6d: {  	_ =	shalt  }
0x6e: {  	_ =	shalt  }
0x6f: {  	_ =	shalt  }
0x70: {  	_ =	shalt  }
0x71: {  	_ =	shalt  }
0x72: {  	_ =	shalt  }
0x73: {  	_ =	shalt  }
0x74: {  	_ =	shalt  }
0x75: {  	_ =	shalt  }
0x76: {  	_ =	shalt  }
0x77: {  	_ =	shalt  }
0x78: {  	_ =	shalt  }
0x79: {  	_ =	shalt  }
0x7a: {  	_ =	shalt  }
0x7b: {  	_ =	shalt  }
0x7c: {  	_ =	shalt  }
0x7d: {  	_ =	shalt  }
0x7e: {  	_ =	shalt  }
0x7f: {  	_ =	shalt  }
0x80: {  	_ =	shalt  }
0x81: {  	_ =	shalt  }
0x82: {  	_ =	shalt  }
0x83: {  	_ =	shalt  }
0x84: {  	_ =	shalt  }
0x85: {  	_ =	shalt  }
0x86: {  	_ =	shalt  }
0x87: {  	_ =	shalt  }
.Lfunc_end0:
.L_simem_size_0:
called_computation_lowered:
.L_overlay_start_0:
0x88: {  	s2 =	sld [smem:$0x3FD9]  }
0x89: {  	s3 =	sld [smem:$0x3FFE];
	_ =	sdelay $0x1  }
0x8a: {  	s1 =	srdreg.scid  }
0x8b: {  	s0 =	sand.u32 $0x1, s1  }
0x8c: {  	s17 =	sshll.u32 s0, $0xA;
	s2 =	sadd.s32 s3, s2  }
0x8d: {  	s2 =	sadd.s32 s2, s17  }
0x8e: {  	[smem:$0x3FC5] =	sst s2  }
0x8f: {  	_ = 	snop  }
0x90: {  	s2 =	sld [smem:$0x3FC9]  }
0x91: {  	s18 =	sld [smem:$0x3FC7]  }
0x92: {  	s4 =	sld [smem:$0x3FD0];
	(tm) =	ssettm $0x1  }
0x93: {  	s5 =	sld [smem:$0x3FFB];
	_ =	sdelay $0x3  }
0x94: {  	_ =	strace s5  }
0x95: {  	s5 =	sld [smem:$0x3FFC];
	_ =	sdelay $0x3  }
0x96: {  	_ =	strace s5  }
0x97: {  	s5 =	sld [smem:$0x3FFD];
	_ =	sdelay $0x3  }
0x98: {  	_ =	strace s5  }
0x99: {  	_ =	strace $0x8FFFFFFF  }
0x9a: {  	s19 =	sld [smem:$0x3FDB];
	_ =	sdelay $0x1  }
0x9b: {  	s6 =	simm.s32 $_scs_section_size  }
0x9c: {  	s7 =	simm.s32 $_size__tile_overlayer_lowered;
	s8 =	simm.s32 $_tile_overlayer_lowered  }
0x9d: {  	s22 =	simm.s32 $0x1BFF;
	s21 =	sshll.u32 s8, $0x1;
	s5 =	sadd.s32 s6, s19  }
0x9e: {  	s9 =	simm.s32 $0x0;
	s20 =	sshll.u32 s7, $0x1;
	s7 =	sadd.s32 s21, s5  }
0x9f: {  	[timem:s9], [sflag:s22] =	dma.local [hbm:s7], s20  }
0xa0: {  	_ =	swait.ge [sflag:s22], s20  }
0xa1: {  	s6 =	ssub.s32 $0x0, s20;
	[sflag:s22] =	ssyncset.done $0x0  }
0xa2: {  	[sflag:s22] =	ssyncadd.s32 s6;
	_ =	sdelay $0x1  }
0xa3: {  	s23 =	simm.s32 $0x1B8B  }
0xa4: {  	_ =	swait.ge [sflag:s23], $0x1  }
0xa5: {  	[sflag:s23] =	ssyncset.done $0x0  }
0xa6: {  	s25 =	simm.s32 $0x1B8E;
	s24 =	sld [smem:$0x3FFE];
	[sflag:s23] =	ssyncadd.s32 $0xFFFFFFFF  }
0xa7: {  	s26 =	simm.s32 $execute0_lowered;
	[smem:$0x3FD2] =	sst s25  }
0xa8: {  	s7 =	sshll.u32 s26, $0x1;
	_ =	strace $0x80000046;
	[dreg:$0x1] =	wrdreg $0xFFFFFFFF  }
0xa9: {  	s28 =	simm.s32 $_size_execute0_lowered;
	s5 =	sadd.s32 s5, s7;
	[dreg:$0x0] =	wrdreg $0x0  }
0xaa: {  	s7 =	sshll.u32 s28, $0x1;
	[dreg:$0x2] =	wrdreg s5  }
0xab: {  	[dreg:$0x3] =	wrdreg s7  }
0xac: {  	[dreg:$0x4] =	wrdreg $0xC0  }
0xad: {  	_ =	task [dreg:s9], $0x5FFFF  }
0xae: {  	[dreg:$0x1] =	wrdreg $0xFFFFFFFF  }
0xaf: {  	[dreg:$0x0] =	wrdreg $0x60  }
0xb0: {  	[dreg:$0x2] =	wrdreg s2  }
0xb1: {  	[dreg:$0x3] =	wrdreg s24  }
0xb2: {  	[dreg:$0x4] =	wrdreg s18  }
0xb3: {  	[dreg:$0x5] =	wrdreg s4  }
0xb4: {  	[dreg:$0x6] =	wrdreg $0x9  }
0xb5: {  	_ =	task.clear_ibuf [dreg:s9], $0x7FFFF;
	_ =	strace $0x90000046  }
0xb6: {  	s29 =	simm.s32 $0x9;
	_ =	strace $0x80000048  }
0xb7: {  	_ =	swait.ge [sflag:s29], $0x1  }
0xb8: {  	[sflag:s29] =	ssyncadd.s32 $0xFFFFFFFF  }
0xb9: {  	_ =	strace $0x90000048  }
0xba: {  	_ =	sfence  }
0xbb: {  	s30 =	sld [smem:$0x0];
	_ =	sdelay $0x2  }
0xbc: {  	s31 =	sshll.u32 s1, $0xD;
	s1 =	sshrl.u32 s1, $0x2  }
0xbd: {  	s3 =	sand.u32 $0x4000, s31;
	s1 =	sadd.s32 s1, s30  }
0xbe: {  	s0 =	sor.u32 s3, s0;
	s1 =	sshll.u32 s1, $0x11  }
0xbf: {  	s0 =	sor.u32 s1, s0  }
0xc0: {  	s0 =	sadd.s32 $0x8F2B, s0  }
0xc1: {  	[sflag:s0] =	ssyncadd.remote.s32 $0x1  }
0xc2: {  	_ =	sfence.sel $0xFFFF  }
0xc3: {  	[dreg:$0x0] =	wrdreg $0xFFFFFFFF;
	(pc) =	sbr.abs _section_cstart, $3  }
0xc4: {  	[dreg:$0x1] =	wrdreg $0xFFFFFFFF  }
0xc5: {  	_ =	task.clear_ibuf [dreg:s9], $0x2FFFF;
	_ =	strace $0x9FFFFFFF  }
0xc6: {  	(tm) =	ssettm $0x7FFFFFFF  }
0xc7: {  	_ =	shalt  }
tec
execute0_lowered:
.L_overlay_start_1:
0x0: {  	(tag) =	ssettag $0x1  }
0x1: {  	s1 =	rddreg [dreg:$0x0]  }
0x2: {  	s0 =	rddreg [dreg:$0x1];
	v0 =	vlaneseq.u32  }
0x3: {  	s2 =	rddreg [dreg:$0x3];
	s8 =	simm.s32 $0x0;
	s3 =	srdreg.scid;
	v1 =	vmul.u32 $0x14, v0  }
0x4: {  	s5 =	stileid.u32;
	s10 =	simm.s32 $0x2;
	s12 =	simm.s32 $0x80  }
0x5: {  	s13 =	simm.s32 $0x500;
	s14 =	simm.s32 $0x1500;
	[smem:$0x7FF] =	sst s8;
	v2 =	vor.u32 $0x1, v1  }
0x6: {  	s15 =	simm.s32 $0x100;
	s16 =	simm.s32 $0x2500;
	_ =	strace $0x80000047;
	v54 =	vor.u32 $0x2, v1;
	[tilespmem:$0x1FF50] =	vst v2  }
0x7: {  	s17 =	simm.s32 $0x180;
	s18 =	simm.s32 $0x3500;
	s19 =	simm.s32 $0x200;
	v55 =	vor.u32 $0x3, v1;
	[tilespmem:$0x1FF60] =	vst v54  }
0x8: {  	s20 =	simm.s32 $0x4500;
	s21 =	simm.s32 $0x280;
	s22 =	simm.s32 $0x5500;
	v0 =	vand.u32 $0x1, v0;
	v56 =	vadd.s32 $0x4, v1;
	[tilespmem:$0x1FF70] =	vst v55  }
0x9: {  	s23 =	simm.s32 $0x300;
	s24 =	simm.s32 $0x6500;
	s25 =	simm.s32 $0x380;
	v16 =	vmul.u32 $0x4, v0;
	v0 =	vmul.u32 $0xFFFFFFFC, v0;
	v57 =	vadd.s32 $0x5, v1;
	[tilespmem:$0x1FF80] =	vst v56  }
0xa: {  	s28 =	simm.s32 $0x400;
	s29 =	simm.s32 $0x8500;
	s3 =	sand.u32 $0x1, s3;
	v58 =	vadd.s32 $0x6, v1;
	v59 =	vadd.s32 $0x7, v1;
	v60 =	vadd.s32 $0x8, v1;
	[tilespmem:$0x1FF90] =	vst v57  }
0xb: {  	s5 =	sshll.u32 s5, $0xA;
	s4 =	ssub.s32 $0x2, s3;
	s3 =	sshll.u32 s3, $0x9;
	v61 =	vadd.s32 $0x9, v1;
	v62 =	vadd.s32 $0xA, v1;
	v63 =	vadd.s32 $0xB, v1;
	[tilespmem:$0x1FFA0] =	vst v58  }
0xc: {  	s30 =	simm.s32 $0x480;
	s31 =	simm.s32 $0x9500;
	s5 =	sor.u32 s3, s5;
	v12 =	vadd.s32 $0xC, v1;
	v13 =	vadd.s32 $0xD, v1;
	v14 =	vadd.s32 $0xE, v1;
	[tilespmem:$0x1FFB0] =	vst v59  }
0xd: {  	s11 =	simm.s32 $0x0;
	s7 =	sshrl.u32 s4, $0x1;
	v15 =	vadd.s32 $0xF, v1;
	v17 =	vadd.s32 $0x10, v1;
	v18 =	vadd.s32 $0x11, v1;
	s3 =	sshrl.u32 s5, $0x3;
	[tilespmem:$0x1FFC0] =	vst v60  }
0xe: {  	s6 =	sadd.s32 $0xF42A00, s0;
	v19 =	vadd.s32 $0x12, v1;
	v20 =	vadd.s32 $0x13, v1;
	s26 =	ssub.s32 s4, s7;
	[tilespmem:$0x1FFD0] =	vst v61;
	v21 =	vor.u32 $0x1, v16;
	s2 =	sadd.s32 s2, s3  }
0xf: {  	[tilespmem:$0x1FFE0] =	vst v62;
	v22 =	vor.u32 $0x2, v16;
	v23 =	vor.u32 $0x3, v16;
	v24 =	vadd.s32 $0x4, v0;
	s0 =	smax.u32 s26, $0x1;
	s26 =	simm.s32 $0x7500;
	[dreg:$0x5] =	wrdreg s2  }
0x10: {  	v11 =	vmovc v1;
	[tilespmem:$0x1FFF0] =	vst v63;
	v25 =	vadd.s32 $0x5, v0;
	v26 =	vadd.s32 $0x6, v0;
	v27 =	vadd.s32 $0x7, v0;
	[dreg:$0x6] =	wrdreg s0;
	s0 =	simm.s32 $0x1;
	s2 =	simm.s32 $0x0  }
.LBB2_1:
0x11: {  	s3 =	rddreg [dreg:$0x2];
	s4 =	simm.s32 $0xA500  }
0x12: {  	[tilespmem:s4], [sflag:$0x2] =	stream.linear.gather [hbm4b:s3+s8], $0x30, $0x38;
	[tilespmem:$0xA760] =	vst v63  }
0x13: {  	_ =	swait.ge [sflag:s10], $0x30  }
0x14: {  	[sflag:s10] =	ssyncset.done $0x0  }
0x15: {  	s9 =	simm.s32 $0xA530;
	[sflag:s10] =	ssyncadd.s32 $0xFFFFFFD0  }
0x16: {  	v28 =	vld [tilespmem:$0xA520];
	[tilespmem:s9], [sflag:$0x2] =	stream.linear.gather [hbm4b:s6+s8], $0x20, $0x38  }
0x17: {  	_ =	swait.ge [sflag:s10], $0x20  }
0x18: {  	[sflag:s10] =	ssyncset.done $0x0  }
0x19: {  	s9 =	simm.s32 $0x0;
	[sflag:s10] =	ssyncadd.s32 $0xFFFFFFE0  }
.LBB2_2:
0x1a: {  	s3 =	sshll.u32 s9, $0x6  }
0x1b: {  	s4 =	sadd.s32 s5, s3  }
0x1c: {  	s4 =	smul.u32 $0x14, s4;
	_ =	sdelay $0x1  }
0x1d: {  	s4 =	sshrl.u32 s4, $0x3  }
0x1e: {  	s4 =	sadd.s32 s1, s4  }
0x1f: {  	[tilespmem:s11], [sflag:$0x2] =	stream.linear.gather [hbm4b:s4+s11], $0x500, $0x38;
	[tilespmem:$0xA760] =	vst v63  }
0x20: {  	_ =	swait.ge [sflag:s10], $0x500  }
0x21: {  	[sflag:s10] =	ssyncset.done $0x0  }
0x22: {  	[sflag:s10] =	ssyncadd.s32 $0xFFFFFB00  }
0x23: {  	[tilespmem:s13], [sflag:$0x1] =	stream.indirect.gather [hbm4b:s6+s12], $0x20, s11, s12, $0xb8;
	[tilespmem:$0xA760] =	vst v63  }
0x24: {  	_ = 	snop  }
0x25: {  	[tilespmem:s14], [sflag:$0x1] =	stream.indirect.gather [hbm4b:s6+s12], $0x20, s12, s12, $0xb8;
	[tilespmem:$0xA760] =	vst v63  }
0x26: {  	_ = 	snop  }
0x27: {  	[tilespmem:s16], [sflag:$0x1] =	stream.indirect.gather [hbm4b:s6+s12], $0x20, s15, s12, $0xb8;
	[tilespmem:$0xA760] =	vst v63  }
0x28: {  	_ = 	snop  }
0x29: {  	[tilespmem:s18], [sflag:$0x1] =	stream.indirect.gather [hbm4b:s6+s12], $0x20, s17, s12, $0xb8;
	[tilespmem:$0xA760] =	vst v63  }
0x2a: {  	_ = 	snop  }
0x2b: {  	[tilespmem:s20], [sflag:$0x1] =	stream.indirect.gather [hbm4b:s6+s12], $0x20, s19, s12, $0xb8;
	[tilespmem:$0xA760] =	vst v63  }
0x2c: {  	_ = 	snop  }
0x2d: {  	[tilespmem:s22], [sflag:$0x1] =	stream.indirect.gather [hbm4b:s6+s12], $0x20, s21, s12, $0xb8;
	[tilespmem:$0xA760] =	vst v63  }
0x2e: {  	_ = 	snop  }
0x2f: {  	[tilespmem:s24], [sflag:$0x1] =	stream.indirect.gather [hbm4b:s6+s12], $0x20, s23, s12, $0xb8;
	[tilespmem:$0xA760] =	vst v63  }
0x30: {  	_ = 	snop  }
0x31: {  	[tilespmem:s26], [sflag:$0x1] =	stream.indirect.gather [hbm4b:s6+s12], $0x20, s25, s12, $0xb8;
	[tilespmem:$0xA760] =	vst v63  }
0x32: {  	_ = 	snop  }
0x33: {  	[tilespmem:s29], [sflag:$0x1] =	stream.indirect.gather [hbm4b:s6+s12], $0x20, s28, s12, $0xb8;
	[tilespmem:$0xA760] =	vst v63  }
0x34: {  	_ = 	snop  }
0x35: {  	[tilespmem:s31], [sflag:$0x1] =	stream.indirect.gather [hbm4b:s6+s12], $0x20, s30, s12, $0xb8;
	[tilespmem:$0xA760] =	vst v63  }
0x36: {  	_ =	swait.ge [sflag:s0], $0x1000  }
0x37: {  	[sflag:s0] =	ssyncset.done $0x0  }
0x38: {  	[sflag:s0] =	ssyncadd.s32 $0xFFFFF000  }
0x39: {  	_ =	swait.ge [sflag:s0], $0x1000  }
0x3a: {  	[sflag:s0] =	ssyncset.done $0x0  }
0x3b: {  	[sflag:s0] =	ssyncadd.s32 $0xFFFFF000  }
0x3c: {  	_ =	swait.ge [sflag:s0], $0x1000  }
0x3d: {  	[sflag:s0] =	ssyncset.done $0x0  }
0x3e: {  	[sflag:s0] =	ssyncadd.s32 $0xFFFFF000  }
0x3f: {  	_ =	swait.ge [sflag:s0], $0x1000  }
0x40: {  	[sflag:s0] =	ssyncset.done $0x0  }
0x41: {  	[sflag:s0] =	ssyncadd.s32 $0xFFFFF000  }
0x42: {  	_ =	swait.ge [sflag:s0], $0x1000  }
0x43: {  	[sflag:s0] =	ssyncset.done $0x0  }
0x44: {  	[sflag:s0] =	ssyncadd.s32 $0xFFFFF000  }
0x45: {  	_ =	swait.ge [sflag:s0], $0x1000  }
0x46: {  	[sflag:s0] =	ssyncset.done $0x0  }
0x47: {  	[sflag:s0] =	ssyncadd.s32 $0xFFFFF000  }
0x48: {  	_ =	swait.ge [sflag:s0], $0x1000  }
0x49: {  	[sflag:s0] =	ssyncset.done $0x0  }
0x4a: {  	[sflag:s0] =	ssyncadd.s32 $0xFFFFF000  }
0x4b: {  	_ =	swait.ge [sflag:s0], $0x1000  }
0x4c: {  	[sflag:s0] =	ssyncset.done $0x0  }
0x4d: {  	[sflag:s0] =	ssyncadd.s32 $0xFFFFF000  }
0x4e: {  	_ =	swait.ge [sflag:s0], $0x1000  }
0x4f: {  	[sflag:s0] =	ssyncset.done $0x0  }
0x50: {  	[sflag:s0] =	ssyncadd.s32 $0xFFFFF000  }
0x51: {  	_ =	swait.ge [sflag:s0], $0x1000  }
0x52: {  	s3 =	sadd.s32 $0xA560, s3;
	[sflag:s0] =	ssyncset.done $0x0  }
0x53: {  	v29 =	vmov s3;
	s3 =	simm.s32 $0x0;
	[sflag:s0] =	ssyncadd.s32 $0xFFFFF000  }
.LBB2_3:
0x54: {  	v4 =	vld [tilespmem:$0x1FF60];
	_ =	sdelay $0x2  }
0x55: {  	s4 =	smul.u32 $0x140, s3;
	_ =	sdelay $0x1  }
0x56: {  	v41 =	vadd.s32 s4, v4;
	v4 =	vld [tilespmem:$0x1FF70];
	_ =	sdelay $0x4  }
0x57: {  	v39 =	vadd.s32 s4, v4;
	v4 =	vld [tilespmem:$0x1FF80];
	_ =	sdelay $0x4  }
0x58: {  	v36 =	vadd.s32 s4, v4;
	v4 =	vld [tilespmem:$0x1FF90]  }
0x59: {  	v1 =	vld [tilespmem:$0x1FF50];
	_ =	sdelay $0x3  }
0x5a: {  	v0 =	vadd.s32 s4, v11;
	v34 =	vadd.s32 s4, v4;
	v4 =	vld [tilespmem:$0x1FFA0]  }
0x5b: {  	v2 =	vand.u32 $0x7F8, v0;
	v1 =	vadd.s32 s4, v1  }
0x5c: {  	v2 =	vor.u32 v16, v2;
	v3 =	vand.u32 $0x7F8, v1  }
0x5d: {  	v30 =	vand.u32 $0x7F8, v41;
	v3 =	vor.u32 v21, v3  }
0x5e: {  	v30 =	vor.u32 v22, v30;
	v32 =	vand.u32 $0x7F8, v36  }
0x5f: {  	v33 =	vor.u32 v24, v32;
	v32 =	vadd.s32 s4, v4;
	v4 =	vld [tilespmem:$0x1FFB0];
	_ =	sdelay $0x1  }
0x60: {  	v2 =	vld.idx.msk [tilespmem:v2+s11+$0x0], $0xffff  }
0x61: {  	v31 =	vand.u32 $0x7F8, v39;
	v3 =	vld.idx.msk [tilespmem:v3+s11+$0x0], $0xffff  }
0x62: {  	v31 =	vor.u32 v23, v31;
	v35 =	vld.idx.msk [tilespmem:v30+s11+$0x0], $0xffff  }
0x63: {  	v30 =	vadd.s32 s4, v4;
	v4 =	vld [tilespmem:$0x1FFC0];
	_ =	sdelay $0x3  }
0x64: {  	vm0 =	veq.s32 v2, $0x0;
	v2 =	vld.idx.msk [tilespmem:v31+s11+$0x0], $0xffff;
	v31 =	vand.u32 $0x7F8, v32  }
0x65: {  	vm9 =	veq.s32 v3, $0x0;
	v3 =	vor.u32 v26, v31;
	v31 =	vadd.s32 s4, v4;
	v4 =	vld [tilespmem:$0x1FFD0];
	_ =	sdelay $0x2  }
0x66: {  	v51 =	vimm.f32 $0.0e+00;
	v37 =	vand.u32 $0x7F8, v34  }
0x67: {  	v38 =	vsel vm0, $0x3F800000, v51;
	v37 =	vor.u32 v25, v37  }
0x68: {  	vm10 =	veq.s32 v35, $0x0;
	v6 =	vand.u32 $0x7F8, v31;
	v35 =	vadd.s32 s4, v4;
	v4 =	vld [tilespmem:$0x1FFE0]  }
0x69: {  	v40 =	vsel vm9, $0x3F800000, v51;
	v33 =	vld.idx.msk [tilespmem:v33+s11+$0x0], $0xffff;
	vm11 =	veq.s32 v2, $0x0;
	v2 =	vor.u32 v16, v6  }
0x6a: {  	v38 =	vadd.f32 v40, v38  }
0x6b: {  	v63 =	vsel vm10, $0x3F800000, v51  }
0x6c: {  	v38 =	vadd.f32 v63, v38;
	v43 =	vld.idx.msk [tilespmem:v37+s11+$0x0], $0xffff;
	v42 =	vand.u32 $0x7F8, v30  }
0x6d: {  	v7 =	vsel vm11, $0x3F800000, v51;
	v62 =	vor.u32 v27, v42;
	v37 =	vadd.s32 s4, v4;
	v4 =	vld [tilespmem:$0x1FFF0]  }
0x6e: {  	v38 =	vadd.f32 v7, v38;
	vm12 =	veq.s32 v33, $0x0;
	v2 =	vld.idx.msk [tilespmem:v2+s11+$0x0], $0xffff  }
0x6f: {  	v49 =	vsel vm12, $0x3F800000, v51;
	v3 =	vld.idx.msk [tilespmem:v3+s11+$0x0], $0xffff  }
0x70: {  	v54 =	vadd.s32 s4, v13;
	v38 =	vadd.f32 v49, v38;
	v44 =	vand.u32 $0x7F8, v35  }
0x71: {  	vm13 =	veq.s32 v43, $0x0;
	v48 =	vor.u32 v21, v44;
	v45 =	vand.u32 $0x7F8, v37  }
0x72: {  	v40 =	vld.idx.msk [tilespmem:v62+s11+$0x0], $0xffff;
	v62 =	vand.u32 $0x7F8, v54;
	v50 =	vor.u32 v22, v45;
	v42 =	vadd.s32 s4, v4  }
0x73: {  	vm4 =	veq.s32 v2, $0x0;
	v2 =	vor.u32 v25, v62;
	v57 =	vand.u32 $0x7F8, v42  }
0x74: {  	v56 =	vsel vm13, $0x3F800000, v51;
	vm14 =	veq.s32 v3, $0x0;
	v3 =	vor.u32 v23, v57  }
0x75: {  	v53 =	vadd.s32 s4, v12;
	v38 =	vadd.f32 v56, v38  }
0x76: {  	v59 =	vand.u32 $0x7F8, v53;
	v58 =	vsel vm14, $0x3F800000, v51;
	v33 =	vld.idx.msk [tilespmem:v48+s11+$0x0], $0xffff  }
0x77: {  	v60 =	vor.u32 v24, v59;
	v38 =	vadd.f32 v58, v38;
	vm15 =	veq.s32 v40, $0x0;
	v43 =	vld.idx.msk [tilespmem:v50+s11+$0x0], $0xffff  }
0x78: {  	v55 =	vadd.s32 s4, v14;
	v61 =	vsel vm15, $0x3F800000, v51;
	v2 =	vld.idx.msk [tilespmem:v2+s11+$0x0], $0xffff  }
0x79: {  	v6 =	vand.u32 $0x7F8, v55;
	v38 =	vadd.f32 v61, v38;
	v3 =	vld.idx.msk [tilespmem:v3+s11+$0x0], $0xffff  }
0x7a: {  	v59 =	vadd.s32 s4, v18;
	v7 =	vor.u32 v26, v6;
	v63 =	vsel vm4, $0x3F800000, v51  }
0x7b: {  	v58 =	vadd.s32 s4, v17;
	v38 =	vadd.f32 v63, v38;
	vm5 =	veq.s32 v33, $0x0  }
0x7c: {  	v46 =	vand.u32 $0x7F8, v58;
	v40 =	vld.idx.msk [tilespmem:v60+s11+$0x0], $0xffff;
	v57 =	vadd.s32 s4, v15;
	v33 =	vsel vm5, $0x3F800000, v51  }
0x7d: {  	v33 =	vadd.f32 v33, v38;
	vm6 =	veq.s32 v43, $0x0;
	vm9 =	veq.s32 v2, $0x0  }
0x7e: {  	v43 =	vsel vm6, $0x3F800000, v51;
	vm7 =	veq.s32 v3, $0x0;
	v3 =	vand.u32 $0x7F8, v57  }
0x7f: {  	v2 =	vand.u32 $0x7F8, v59;
	v33 =	vadd.f32 v43, v33;
	v3 =	vor.u32 v27, v3  }
0x80: {  	v60 =	vadd.s32 s4, v19;
	v2 =	vor.u32 v21, v2;
	v45 =	vsel vm7, $0x3F800000, v51  }
0x81: {  	vm8 =	veq.s32 v40, $0x0;
	v40 =	vor.u32 v16, v46;
	v33 =	vadd.f32 v45, v33  }
0x82: {  	v41 =	vshll.u32 v41, $0x5;
	v49 =	vand.u32 $0x7F8, v60;
	v47 =	vsel vm8, $0x3F800000, v51;
	v38 =	vld.idx.msk [tilespmem:v7+s11+$0x0], $0xffff  }
0x83: {  	v61 =	vadd.s32 s4, v20;
	v56 =	vor.u32 v22, v49;
	v33 =	vadd.f32 v47, v33  }
0x84: {  	v46 =	vand.u32 $0x7F8, v61;
	v50 =	vmov s11;
	v48 =	vsel vm9, $0x3F800000, v51;
	v3 =	vld.idx.msk [tilespmem:v3+s11+$0x0], $0xffff  }
0x85: {  	v52 =	vand.u32 $0x18, v50;
	v2 =	vld.idx.msk [tilespmem:v2+s11+$0x0], $0xffff;
	v43 =	vadd.f32 v48, v33;
	v33 =	vshll.u32 v0, $0x5  }
0x86: {  	v46 =	vor.u32 v23, v46;
	v0 =	vld.idx.msk [tilespmem:v40+s11+$0x0], $0xffff;
	v40 =	vand.u32 $0x7, v50;
	v62 =	vor.u32 v33, v52  }
0x87: {  	vm10 =	veq.s32 v38, $0x0;
	v38 =	vshll.u32 v1, $0x5;
	v1 =	vor.u32 v40, v62  }
0x88: {  	v42 =	vshll.u32 v42, $0x5;
	v7 =	vor.u32 v41, v52;
	v47 =	vor.u32 v38, v52  }
0x89: {  	v63 =	vsel vm10, $0x3F800000, v51;
	v48 =	vld.idx.msk [tilespmem:v56+s11+$0x0], $0xffff;
	vm11 =	veq.s32 v3, $0x0;
	v3 =	vor.u32 v40, v47  }
0x8a: {  	v45 =	vshll.u32 v36, $0x5;
	vm13 =	veq.s32 v2, $0x0;
	v44 =	vadd.f32 v63, v43  }
0x8b: {  	v2 =	vld.idx.msk [tilespmem:v46+s11+$0x0], $0xffff;
	v43 =	vshll.u32 v39, $0x5;
	vm12 =	veq.s32 v0, $0x0;
	v0 =	vor.u32 v40, v7  }
0x8c: {  	v46 =	vshll.u32 v34, $0x5;
	v62 =	vsel vm13, $0x3F800000, v51;
	v56 =	vor.u32 v43, v52;
	v1 =	vld.idx.msk [tilespmem:v1+s13+$0x0], $0xffff  }
0x8d: {  	v63 =	vor.u32 v45, v52;
	v36 =	vor.u32 v40, v56;
	v6 =	vsel vm11, $0x3F800000, v51  }
0x8e: {  	v34 =	vor.u32 v40, v63;
	vm14 =	veq.s32 v48, $0x0;
	v49 =	vadd.f32 v6, v44;
	v3 =	vld.idx.msk [tilespmem:v3+s13+$0x0], $0xffff  }
0x8f: {  	v7 =	vor.u32 v46, v52;
	v48 =	vshll.u32 v32, $0x5;
	v50 =	vsel vm12, $0x3F800000, v51  }
0x90: {  	vm15 =	veq.s32 v2, $0x0;
	v47 =	vshll.u32 v35, $0x5;
	v39 =	vadd.f32 v50, v49;
	v0 =	vld.idx.msk [tilespmem:v0+s13+$0x0], $0xffff  }
0x91: {  	v56 =	vor.u32 v40, v7;
	v63 =	vor.u32 v48, v52;
	v1 =	vadd.f32 $0.0e+00, v1  }
0x92: {  	v6 =	vsel vm14, $0x3F800000, v51;
	v44 =	vshll.u32 v37, $0x5;
	v2 =	vld.idx.msk [tilespmem:v36+s13+$0x0], $0xffff;
	v39 =	vadd.f32 v62, v39  }
0x93: {  	v50 =	vshll.u32 v30, $0x5;
	v30 =	vor.u32 v40, v63;
	v1 =	vadd.f32 v3, v1  }
0x94: {  	v49 =	vshll.u32 v31, $0x5;
	v31 =	vld.idx.msk [tilespmem:v34+s13+$0x0], $0xffff;
	v62 =	vadd.f32 v6, v39;
	v6 =	vor.u32 v50, v52  }
0x95: {  	s8 =	simm.s32 $0x1;
	v36 =	vshll.u32 v54, $0x5;
	v7 =	vor.u32 v40, v6;
	v0 =	vadd.f32 v0, v1  }
0x96: {  	v63 =	vmov s8;
	v34 =	vshll.u32 v55, $0x5;
	v1 =	vld.idx.msk [tilespmem:v56+s13+$0x0], $0xffff;
	v56 =	vor.u32 v49, v52  }
0x97: {  	v55 =	vand.u32 $0x7, v63;
	v32 =	vor.u32 v40, v56;
	v0 =	vadd.f32 v2, v0  }
0x98: {  	v39 =	vshll.u32 v53, $0x5;
	v56 =	vand.u32 $0x18, v63;
	v2 =	vld.idx.msk [tilespmem:v30+s13+$0x0], $0xffff;
	v30 =	vor.u32 v47, v52  }
0x99: {  	v6 =	vor.u32 v40, v30;
	v30 =	vor.u32 v44, v52;
	v0 =	vadd.f32 v31, v0  }
0x9a: {  	v35 =	vld.idx.msk [tilespmem:v7+s13+$0x0], $0xffff;
	v7 =	vor.u32 v40, v30;
	v31 =	vshll.u32 v57, $0x5;
	v30 =	vor.u32 v42, v52  }
0x9b: {  	v57 =	vor.u32 v40, v30;
	v0 =	vadd.f32 v1, v0;
	v1 =	vor.u32 v33, v56  }
0x9c: {  	v63 =	vor.u32 v39, v52;
	v30 =	vshll.u32 v58, $0x5;
	v37 =	vld.idx.msk [tilespmem:v32+s13+$0x0], $0xffff;
	v1 =	vor.u32 v55, v1  }
0x9d: {  	v58 =	vor.u32 v40, v63;
	v0 =	vadd.f32 v2, v0;
	v2 =	vor.u32 v38, v56  }
0x9e: {  	v53 =	vld.idx.msk [tilespmem:v6+s13+$0x0], $0xffff;
	v6 =	vor.u32 v36, v52;
	v2 =	vor.u32 v55, v2  }
0x9f: {  	v63 =	vor.u32 v41, v56;
	v54 =	vld.idx.msk [tilespmem:v7+s13+$0x0], $0xffff;
	v4 =	vor.u32 v40, v6;
	v0 =	vadd.f32 v35, v0  }
0xa0: {  	v63 =	vor.u32 v55, v63;
	v7 =	vor.u32 v43, v56;
	v35 =	vshll.u32 v60, $0x5;
	v57 =	vld.idx.msk [tilespmem:v57+s13+$0x0], $0xffff  }
0xa1: {  	v60 =	vor.u32 v34, v52;
	v5 =	vor.u32 v55, v7;
	v0 =	vadd.f32 v37, v0;
	v1 =	vld.idx.msk [tilespmem:v1+s13+$0x0], $0xffff  }
0xa2: {  	v3 =	vsel vm15, $0x3F800000, v51;
	v6 =	vor.u32 v45, v56;
	v58 =	vld.idx.msk [tilespmem:v58+s13+$0x0], $0xffff;
	v60 =	vor.u32 v40, v60  }
0xa3: {  	v7 =	vor.u32 v31, v52;
	v0 =	vadd.f32 v53, v0;
	v2 =	vld.idx.msk [tilespmem:v2+s13+$0x0], $0xffff;
	v53 =	vor.u32 v55, v6  }
0xa4: {  	v32 =	vshll.u32 v59, $0x5;
	v37 =	vshll.u32 v61, $0x5;
	v61 =	vor.u32 v40, v7;
	v4 =	vld.idx.msk [tilespmem:v4+s13+$0x0], $0xffff  }
0xa5: {  	v7 =	vor.u32 v32, v52;
	v0 =	vadd.f32 v54, v0;
	v54 =	vld.idx.msk [tilespmem:v63+s13+$0x0], $0xffff;
	v63 =	vor.u32 v46, v56  }
0xa6: {  	v6 =	vor.u32 v30, v52;
	v5 =	vld.idx.msk [tilespmem:v5+s13+$0x0], $0xffff;
	v63 =	vor.u32 v55, v63;
	v1 =	vadd.f32 $0.0e+00, v1  }
0xa7: {  	v6 =	vor.u32 v40, v6;
	v60 =	vld.idx.msk [tilespmem:v60+s13+$0x0], $0xffff;
	v0 =	vadd.f32 v57, v0;
	v57 =	vor.u32 v48, v56  }
0xa8: {  	v57 =	vor.u32 v55, v57;
	v1 =	vadd.f32 v2, v1;
	v2 =	vor.u32 v40, v7;
	v7 =	vld.idx.msk [tilespmem:v53+s13+$0x0], $0xffff  }
0xa9: {  	s7 =	simm.s32 $0xA530;
	v53 =	vor.u32 v50, v56;
	v0 =	vadd.f32 v58, v0;
	v58 =	vld.idx.msk [tilespmem:v61+s13+$0x0], $0xffff;
	v61 =	vor.u32 v35, v52  }
0xaa: {  	v59 =	vld.msk [tilespmem:s7+$0x0 ss:$0x0], $0xffff;
	v53 =	vor.u32 v55, v53;
	v52 =	vor.u32 v37, v52;
	v1 =	vadd.f32 v54, v1  }
0xab: {  	v54 =	vor.u32 v40, v61;
	v61 =	vor.u32 v49, v56;
	v0 =	vadd.f32 v4, v0;
	v4 =	vld.idx.msk [tilespmem:v63+s13+$0x0], $0xffff  }
0xac: {  	v6 =	vld.idx.msk [tilespmem:v6+s13+$0x0], $0xffff;
	v61 =	vor.u32 v55, v61;
	v63 =	vor.u32 v39, v56;
	v1 =	vadd.f32 v5, v1  }
0xad: {  	v5 =	vor.u32 v40, v52;
	v0 =	vadd.f32 v60, v0;
	v52 =	vld.idx.msk [tilespmem:v57+s13+$0x0], $0xffff;
	v60 =	vor.u32 v47, v56  }
0xae: {  	v40 =	vadd.f32 v3, v62;
	v2 =	vld.idx.msk [tilespmem:v2+s13+$0x0], $0xffff;
	v3 =	vor.u32 v55, v60;
	v1 =	vadd.f32 v7, v1  }
0xaf: {  	s8 =	simm.s32 $0x2;
	v62 =	vor.u32 v42, v56;
	v57 =	vld.idx.msk [tilespmem:v53+s13+$0x0], $0xffff;
	v0 =	vadd.f32 v58, v0;
	v58 =	vor.u32 v44, v56  }
0xb0: {  	v7 =	vmov s8;
	v60 =	vld.idx.msk [tilespmem:v54+s13+$0x0], $0xffff;
	v58 =	vor.u32 v55, v58;
	v1 =	vadd.f32 v4, v1  }
0xb1: {  	v53 =	vand.u32 $0x7, v7;
	v54 =	vand.u32 $0x18, v7;
	v4 =	vld.idx.msk [tilespmem:v61+s13+$0x0], $0xffff;
	v0 =	vadd.f32 v6, v0  }
0xb2: {  	v7 =	vor.u32 v33, v54;
	v5 =	vld.idx.msk [tilespmem:v5+s13+$0x0], $0xffff;
	v6 =	vor.u32 v55, v62;
	v1 =	vadd.f32 v52, v1  }
0xb3: {  	s8 =	simm.s32 $0xA500;
	v62 =	vor.u32 v41, v54;
	v0 =	vadd.f32 v2, v0;
	v2 =	vor.u32 v53, v7;
	v3 =	vld.idx.msk [tilespmem:v3+s13+$0x0], $0xffff  }
0xb4: {  	v61 =	vld.msk [tilespmem:s8+$0x0 ss:$0x0], $0xffff;
	v52 =	vor.u32 v38, v54;
	v7 =	vor.u32 v55, v63;
	v1 =	vadd.f32 v57, v1  }
0xb5: {  	s7 =	simm.s32 $0xA531;
	v57 =	vor.u32 v36, v56;
	v0 =	vadd.f32 v60, v0;
	v60 =	vor.u32 v53, v52;
	v58 =	vld.idx.msk [tilespmem:v58+s13+$0x0], $0xffff  }
0xb6: {  	v57 =	vor.u32 v55, v57;
	v52 =	vld.msk [tilespmem:s7+$0x0 ss:$0x0], $0xffff;
	v1 =	vadd.f32 v4, v1;
	v4 =	vor.u32 v53, v62  }
0xb7: {  	v62 =	vor.u32 v43, v54;
	v0 =	vadd.f32 v5, v0;
	v5 =	vld.idx.msk [tilespmem:v6+s13+$0x0], $0xffff;
	v6 =	vor.u32 v34, v56  }
0xb8: {  	v2 =	vld.idx.msk [tilespmem:v2+s13+$0x0], $0xffff;
	v6 =	vor.u32 v55, v6;
	v1 =	vadd.f32 v3, v1;
	v3 =	vmul.f32 v59, v40  }
0xb9: {  	v63 =	vor.u32 v45, v54;
	v59 =	vor.u32 v53, v62;
	v7 =	vld.idx.msk [tilespmem:v7+s13+$0x0], $0xffff;
	v62 =	vor.u32 v31, v56  }
0xba: {  	v62 =	vor.u32 v55, v62;
	v60 =	vld.idx.msk [tilespmem:v60+s13+$0x0], $0xffff;
	v1 =	vadd.f32 v58, v1;
	v0 =	vsub.f32 v0, v3  }
0xbb: {  	v3 =	vor.u32 v53, v63;
	v57 =	vld.idx.msk [tilespmem:v57+s13+$0x0], $0xffff;
	v58 =	vor.u32 v30, v56;
	v63 =	vor.u32 v46, v54  }
0xbc: {  	v4 =	vld.idx.msk [tilespmem:v4+s13+$0x0], $0xffff;
	v58 =	vor.u32 v55, v58;
	v1 =	vadd.f32 v5, v1;
	v5 =	vor.u32 v53, v63  }
0xbd: {  	v63 =	vor.u32 v32, v56;
	v0 =	vmul.f32 v0, v61;
	v6 =	vld.idx.msk [tilespmem:v6+s13+$0x0], $0xffff;
	v2 =	vadd.f32 $0.0e+00, v2  }
0xbe: {  	v59 =	vld.idx.msk [tilespmem:v59+s13+$0x0], $0xffff;
	v8 =	vor.u32 v55, v63;
	v1 =	vadd.f32 v7, v1;
	v7 =	vor.u32 v48, v54  }
0xbf: {  	v9 =	vld.idx.msk [tilespmem:v62+s13+$0x0], $0xffff;
	v7 =	vor.u32 v53, v7;
	v2 =	vadd.f32 v60, v2;
	v60 =	vor.u32 v35, v56  }
0xc0: {  	v3 =	vld.idx.msk [tilespmem:v3+s13+$0x0], $0xffff;
	v1 =	vadd.f32 v57, v1;
	v57 =	vor.u32 v50, v54;
	v60 =	vor.u32 v55, v60  }
0xc1: {  	v56 =	vor.u32 v37, v56;
	v10 =	vld.idx.msk [tilespmem:v58+s13+$0x0], $0xffff;
	v61 =	vor.u32 v53, v57;
	v2 =	vadd.f32 v4, v2  }
0xc2: {  	v51 =	vadd.f32 v0, v51;
	v0 =	vor.u32 v49, v54;
	v4 =	vor.u32 v55, v56;
	v63 =	vld.idx.msk [tilespmem:v5+s13+$0x0], $0xffff  }
0xc3: {  	v1 =	vadd.f32 v6, v1;
	v57 =	vld.idx.msk [tilespmem:v8+s13+$0x0], $0xffff;
	v5 =	vadd.f32 v59, v2;
	v2 =	vor.u32 v53, v0  }
0xc4: {  	s4 =	simm.s32 $0x3;
	v59 =	vor.u32 v47, v54;
	v62 =	vld.idx.msk [tilespmem:v7+s13+$0x0], $0xffff  }
0xc5: {  	v0 =	vmov s4;
	v55 =	vadd.f32 v9, v1;
	v1 =	vor.u32 v53, v59;
	v58 =	vld.idx.msk [tilespmem:v60+s13+$0x0], $0xffff  }
0xc6: {  	v56 =	vand.u32 $0x18, v0;
	v3 =	vadd.f32 v3, v5;
	v5 =	vor.u32 v44, v54;
	v61 =	vld.idx.msk [tilespmem:v61+s13+$0x0], $0xffff  }
0xc7: {  	s4 =	simm.s32 $0x4;
	v60 =	vadd.f32 v10, v55;
	v55 =	vand.u32 $0x7, v0;
	v0 =	vor.u32 v53, v5;
	v59 =	vld.idx.msk [tilespmem:v4+s13+$0x0], $0xffff  }
.LBB2_4:
0xc8: {  	p0 =	sne.s32 s4, $0x1F;
	v3 =	vadd.f32 v63, v3;
	v2 =	vld.idx.msk [tilespmem:v2+s13+$0x0], $0xffff;
	v4 =	vor.u32 v42, v54;
	v5 =	vor.u32 v36, v54  }
0xc9: {  	v6 =	vor.u32 v33, v56;
	v4 =	vor.u32 v53, v4;
	v7 =	vadd.f32 v57, v60  }
0xca: {  	v8 =	vor.u32 v39, v54;
	s8 =	sadd.s32 $0x1, s8;
	v6 =	vor.u32 v55, v6;
	v3 =	vadd.f32 v62, v3;
	v1 =	vld.idx.msk [tilespmem:v1+s13+$0x0], $0xffff  }
0xcb: {  	v9 =	vor.u32 v38, v56;
	v8 =	vor.u32 v53, v8;
	v7 =	vadd.f32 v58, v7;
	v10 =	vld.msk [tilespmem:s8+$0x0 ss:$0x0], $0xffff  }
0xcc: {  	s7 =	sadd.s32 $0x1, s7;
	v9 =	vor.u32 v55, v9;
	v57 =	vor.u32 v41, v56;
	v3 =	vadd.f32 v61, v3;
	v0 =	vld.idx.msk [tilespmem:v0+s13+$0x0], $0xffff  }
0xcd: {  	v5 =	vor.u32 v53, v5;
	v58 =	vmul.f32 v52, v40;
	v7 =	vadd.f32 v59, v7;
	v52 =	vld.msk [tilespmem:s7+$0x0 ss:$0x0], $0xffff  }
0xce: {  	v57 =	vor.u32 v55, v57;
	v2 =	vadd.f32 v2, v3;
	v3 =	vld.idx.msk [tilespmem:v4+s13+$0x0], $0xffff;
	v4 =	vor.u32 v34, v54  }
0xcf: {  	v59 =	vor.u32 v43, v56;
	v6 =	vld.idx.msk [tilespmem:v6+s13+$0x0], $0xffff;
	v4 =	vor.u32 v53, v4;
	v7 =	vsub.f32 v7, v58  }
0xd0: {  	v58 =	vor.u32 v55, v59;
	v1 =	vadd.f32 v1, v2;
	v2 =	vld.idx.msk [tilespmem:v8+s13+$0x0], $0xffff;
	v8 =	vor.u32 v31, v54  }
0xd1: {  	v59 =	vor.u32 v45, v56;
	v9 =	vld.idx.msk [tilespmem:v9+s13+$0x0], $0xffff;
	v8 =	vor.u32 v53, v8;
	v7 =	vmul.f32 v7, v10  }
0xd2: {  	v10 =	vor.u32 v55, v59;
	v0 =	vadd.f32 v0, v1;
	v1 =	vld.idx.msk [tilespmem:v5+s13+$0x0], $0xffff;
	v5 =	vor.u32 v30, v54  }
0xd3: {  	v59 =	vor.u32 v46, v56;
	v57 =	vld.idx.msk [tilespmem:v57+s13+$0x0], $0xffff;
	v5 =	vor.u32 v53, v5;
	v51 =	vadd.f32 v7, v51  }
0xd4: {  	v7 =	vor.u32 v55, v59;
	v0 =	vadd.f32 v3, v0;
	v3 =	vld.idx.msk [tilespmem:v4+s13+$0x0], $0xffff;
	v4 =	vor.u32 v32, v54  }
0xd5: {  	v59 =	vor.u32 v48, v56;
	v6 =	vadd.f32 $0.0e+00, v6;
	v58 =	vld.idx.msk [tilespmem:v58+s13+$0x0], $0xffff;
	v4 =	vor.u32 v53, v4  }
0xd6: {  	v59 =	vor.u32 v55, v59;
	v0 =	vadd.f32 v2, v0;
	v8 =	vld.idx.msk [tilespmem:v8+s13+$0x0], $0xffff;
	v2 =	vor.u32 v35, v54  }
0xd7: {  	v6 =	vadd.f32 v9, v6;
	v9 =	vld.idx.msk [tilespmem:v10+s13+$0x0], $0xffff;
	v10 =	vor.u32 v50, v56;
	v60 =	vor.u32 v53, v2  }
0xd8: {  	v10 =	vor.u32 v55, v10;
	v0 =	vadd.f32 v1, v0;
	v5 =	vld.idx.msk [tilespmem:v5+s13+$0x0], $0xffff;
	v1 =	vor.u32 v37, v54  }
0xd9: {  	v2 =	vor.u32 v49, v56;
	v6 =	vadd.f32 v57, v6;
	v63 =	vld.idx.msk [tilespmem:v7+s13+$0x0], $0xffff;
	v7 =	vor.u32 v53, v1  }
.Ltmp0:
0xda: {  	v2 =	vor.u32 v55, v2;
	v54 =	vmovc v56;
	v53 =	vmov v55;
	v0 =	vadd.f32 v3, v0;
	v57 =	vld.idx.msk [tilespmem:v4+s13+$0x0], $0xffff;
	(pc) =	sbr.rel @p0 .LBB2_4-.Ltmp0, $4  }
0xdb: {  	v1 =	vor.u32 v47, v54;
	v3 =	vadd.f32 v58, v6;
	v62 =	vld.idx.msk [tilespmem:v59+s13+$0x0], $0xffff  }
0xdc: {  	v4 =	vmov s4;
	v1 =	vor.u32 v53, v1;
	v6 =	vadd.f32 v8, v0;
	v58 =	vld.idx.msk [tilespmem:v60+s13+$0x0], $0xffff  }
0xdd: {  	v55 =	vand.u32 $0x7, v4;
	v3 =	vadd.f32 v9, v3;
	v0 =	vor.u32 v44, v54;
	v61 =	vld.idx.msk [tilespmem:v10+s13+$0x0], $0xffff  }
0xde: {  	s4 =	sadd.s32 $0x1, s4;
	v56 =	vand.u32 $0x18, v4;
	v0 =	vor.u32 v53, v0;
	v60 =	vadd.f32 v5, v6;
	v59 =	vld.idx.msk [tilespmem:v7+s13+$0x0], $0xffff  }
0xdf: {  	v4 =	vor.u32 v33, v56  }
0xe0: {  	v4 =	vor.u32 v55, v4  }
0xe1: {  	v5 =	vor.u32 v38, v56  }
0xe2: {  	v5 =	vor.u32 v55, v5  }
0xe3: {  	v6 =	vor.u32 v41, v56  }
0xe4: {  	v6 =	vor.u32 v55, v6  }
0xe5: {  	v7 =	vor.u32 v43, v56;
	v4 =	vld.idx.msk [tilespmem:v4+s13+$0x0], $0xffff  }
0xe6: {  	v7 =	vor.u32 v55, v7  }
0xe7: {  	v8 =	vor.u32 v45, v56;
	v5 =	vld.idx.msk [tilespmem:v5+s13+$0x0], $0xffff  }
0xe8: {  	v8 =	vor.u32 v55, v8  }
0xe9: {  	v9 =	vor.u32 v46, v56;
	v6 =	vld.idx.msk [tilespmem:v6+s13+$0x0], $0xffff  }
0xea: {  	v10 =	vor.u32 v48, v56;
	v9 =	vor.u32 v55, v9;
	v4 =	vadd.f32 $0.0e+00, v4  }
0xeb: {  	v10 =	vor.u32 v55, v10;
	v7 =	vld.idx.msk [tilespmem:v7+s13+$0x0], $0xffff  }
0xec: {  	v2 =	vld.idx.msk [tilespmem:v2+s13+$0x0], $0xffff;
	v4 =	vadd.f32 v5, v4  }
0xed: {  	v3 =	vadd.f32 v63, v3;
	v43 =	vld.idx.msk [tilespmem:v8+s13+$0x0], $0xffff;
	v8 =	vor.u32 v50, v56  }
0xee: {  	v1 =	vld.idx.msk [tilespmem:v1+s13+$0x0], $0xffff;
	v8 =	vor.u32 v55, v8;
	v4 =	vadd.f32 v6, v4  }
0xef: {  	v3 =	vadd.f32 v62, v3;
	v45 =	vld.idx.msk [tilespmem:v9+s13+$0x0], $0xffff;
	v9 =	vor.u32 v49, v56  }
0xf0: {  	v46 =	vld.idx.msk [tilespmem:v10+s13+$0x0], $0xffff;
	v10 =	vor.u32 v47, v56;
	v9 =	vor.u32 v55, v9;
	v4 =	vadd.f32 v7, v4  }
0xf1: {  	v63 =	vor.u32 v42, v56;
	v3 =	vadd.f32 v61, v3;
	v10 =	vor.u32 v55, v10  }
0xf2: {  	v0 =	vld.idx.msk [tilespmem:v0+s13+$0x0], $0xffff;
	v41 =	vor.u32 v55, v63;
	v47 =	vor.u32 v42, v54;
	v4 =	vadd.f32 v43, v4  }
0xf3: {  	s4 =	sadd.s32 $0x1, s8;
	v49 =	vor.u32 v44, v56;
	v2 =	vadd.f32 v2, v3;
	v48 =	vor.u32 v53, v47;
	v8 =	vld.idx.msk [tilespmem:v8+s13+$0x0], $0xffff  }
0xf4: {  	v38 =	vld.msk [tilespmem:s4+$0x0 ss:$0x0], $0xffff;
	v50 =	vor.u32 v39, v54;
	v33 =	vor.u32 v55, v49;
	v4 =	vadd.f32 v45, v4  }
0xf5: {  	v62 =	vor.u32 v53, v50;
	v49 =	vor.u32 v36, v56;
	v1 =	vadd.f32 v1, v2;
	v9 =	vld.idx.msk [tilespmem:v9+s13+$0x0], $0xffff  }
0xf6: {  	v2 =	vor.u32 v55, v49;
	v47 =	vld.idx.msk [tilespmem:v10+s13+$0x0], $0xffff;
	v10 =	vor.u32 v39, v56;
	v4 =	vadd.f32 v46, v4  }
0xf7: {  	v61 =	vld.idx.msk [tilespmem:v41+s13+$0x0], $0xffff;
	v10 =	vor.u32 v55, v10;
	v45 =	vor.u32 v36, v54  }
0xf8: {  	v63 =	vor.u32 v30, v54;
	v5 =	vld.idx.msk [tilespmem:v48+s13+$0x0], $0xffff;
	v46 =	vor.u32 v53, v45;
	v4 =	vadd.f32 v8, v4  }
0xf9: {  	v41 =	vor.u32 v53, v63;
	v33 =	vld.idx.msk [tilespmem:v33+s13+$0x0], $0xffff;
	v48 =	vor.u32 v34, v54  }
0xfa: {  	v6 =	vld.idx.msk [tilespmem:v62+s13+$0x0], $0xffff;
	v62 =	vor.u32 v34, v56;
	v8 =	vor.u32 v53, v48;
	v4 =	vadd.f32 v9, v4  }
0xfb: {  	v50 =	vor.u32 v31, v54;
	v0 =	vadd.f32 v0, v1;
	v2 =	vld.idx.msk [tilespmem:v2+s13+$0x0], $0xffff;
	v34 =	vor.u32 v55, v62  }
0xfc: {  	v42 =	vld.idx.msk [tilespmem:v10+s13+$0x0], $0xffff;
	v10 =	vor.u32 v31, v56;
	v9 =	vor.u32 v53, v50;
	v3 =	vadd.f32 v47, v4  }
0xfd: {  	s7 =	sadd.s32 $0x1, s7;
	v44 =	vor.u32 v30, v56;
	v0 =	vadd.f32 v5, v0;
	v10 =	vor.u32 v55, v10;
	v7 =	vld.idx.msk [tilespmem:v46+s13+$0x0], $0xffff  }
0xfe: {  	v30 =	vor.u32 v35, v54;
	v31 =	vor.u32 v32, v54;
	v43 =	vld.msk [tilespmem:s7+$0x0 ss:$0x0], $0xffff;
	v3 =	vadd.f32 v33, v3  }
0xff: {  	v31 =	vor.u32 v53, v31;
	v0 =	vadd.f32 v6, v0;
	v6 =	vor.u32 v55, v44;
	v8 =	vld.idx.msk [tilespmem:v8+s13+$0x0], $0xffff  }
0x100: {  	v45 =	vor.u32 v53, v30;
	v30 =	vor.u32 v32, v56;
	v46 =	vld.idx.msk [tilespmem:v34+s13+$0x0], $0xffff;
	v1 =	vadd.f32 v61, v3  }
0x101: {  	v30 =	vor.u32 v55, v30;
	v9 =	vld.idx.msk [tilespmem:v9+s13+$0x0], $0xffff  }
0x102: {  	v10 =	vld.idx.msk [tilespmem:v10+s13+$0x0], $0xffff;
	v47 =	vor.u32 v37, v54;
	v0 =	vadd.f32 v7, v0;
	v1 =	vadd.f32 v42, v1  }
0x103: {  	v49 =	vor.u32 v35, v56;
	v4 =	vld.idx.msk [tilespmem:v41+s13+$0x0], $0xffff;
	v48 =	vor.u32 v53, v47;
	v53 =	vor.u32 v37, v56  }
0x104: {  	v0 =	vadd.f32 v8, v0;
	v8 =	vld.idx.msk [tilespmem:v31+s13+$0x0], $0xffff;
	v31 =	vor.u32 v55, v49;
	v1 =	vadd.f32 v2, v1  }
0x105: {  	v50 =	vld.idx.msk [tilespmem:v6+s13+$0x0], $0xffff;
	v6 =	vor.u32 v55, v53  }
0x106: {  	v3 =	vld.idx.msk [tilespmem:v45+s13+$0x0], $0xffff;
	v0 =	vadd.f32 v9, v0;
	v1 =	vadd.f32 v46, v1  }
0x107: {  	v54 =	vadd.f32 v57, v60;
	v9 =	vld.idx.msk [tilespmem:v30+s13+$0x0], $0xffff  }
0x108: {  	v55 =	vld.idx.msk [tilespmem:v48+s13+$0x0], $0xffff;
	v0 =	vadd.f32 v4, v0;
	v1 =	vadd.f32 v10, v1  }
0x109: {  	v56 =	vadd.f32 v58, v54;
	v57 =	vld.idx.msk [tilespmem:v31+s13+$0x0], $0xffff  }
0x10a: {  	s7 =	sadd.s32 $0x1, s7;
	v6 =	vld.idx.msk [tilespmem:v6+s13+$0x0], $0xffff;
	v0 =	vadd.f32 v8, v0;
	v1 =	vadd.f32 v50, v1  }
0x10b: {  	v58 =	vadd.f32 v59, v56;
	v59 =	vmul.f32 v52, v40;
	v8 =	vld.msk [tilespmem:s7+$0x0 ss:$0x0], $0xffff  }
0x10c: {  	s4 =	sadd.s32 $0x1, s4;
	v0 =	vadd.f32 v3, v0;
	v1 =	vadd.f32 v9, v1  }
0x10d: {  	v60 =	vld.msk [tilespmem:s4+$0x0 ss:$0x0], $0xffff;
	v2 =	vsub.f32 v58, v59  }
0x10e: {  	s4 =	sadd.s32 $0x1, s4;
	v61 =	vmul.f32 v43, v40;
	v0 =	vadd.f32 v55, v0;
	v1 =	vadd.f32 v57, v1  }
0x10f: {  	v62 =	vld.msk [tilespmem:s4+$0x0 ss:$0x0], $0xffff;
	v2 =	vmul.f32 v2, v38  }
0x110: {  	v63 =	vmul.f32 v8, v40;
	v0 =	vsub.f32 v0, v61;
	v1 =	vadd.f32 v6, v1;
	_ =	sdelay $0x1  }
0x111: {  	v2 =	vadd.f32 v2, v51;
	v0 =	vmul.f32 v0, v60;
	v1 =	vsub.f32 v1, v63;
	_ =	sdelay $0x1  }
0x112: {  	v0 =	vadd.f32 v0, v2;
	v1 =	vmul.f32 v1, v62;
	_ =	sdelay $0x1  }
0x113: {  	v0 =	vadd.f32 v1, v0;
	_ =	sdelay $0x1  }
0x114: {  	v0 =	vmul.f32 $5.000000070e-02, v0;
	_ =	sdelay $0x1  }
0x115: {  	v0 =	vadd.f32 v0, v28;
	_ =	sdelay $0x1  }
0x116: {  	v0 =	vsub.f32 $0.0e+00, v0;
	_ =	sdelay $0x1  }
0x117: {  	v0 =	vmul.f32 $1.442695020e+00, v0;
	_ =	sdelay $0x1  }
0x118: {  	(erf) = vpow2.f32 v0;
	_ =	sdelay $0x8  }
0x119: {  	v0 =	vpop (erf)  }
0x11a: {  	v0 =	vadd.f32 $1.000000000e+00, v0;
	_ =	sdelay $0x1  }
0x11b: {  	(erf) = vrcp.f32 v0;
	_ =	sdelay $0x3  }
0x11c: {  	s8 =	sshll.u32 s3, $0x4;
	s3 =	sadd.s32 $0x1, s3  }
0x11d: {  	p0 =	sne.s32 s3, $0x4  }
.Ltmp1:
0x11e: {  	_ = 	snop;
	(pc) =	sbr.rel @p0 .LBB2_3-.Ltmp1, $3  }
0x11f: {  	_ =	sdelay $0x1  }
0x120: {  	s4 =	sand.u32 $0x3FFFFFF0, s8;
	v0 =	vpop (erf)  }
0x121: {  	[tilespmem:v29+s4+$0x0 ss:$0x1] =	vst.idx.msk $0xffff, v0  }
0x122: {  	s9 =	sadd.s32 $0x1, s9  }
0x123: {  	p0 =	sne.s32 s9, $0x8  }
.Ltmp2:
0x124: {  	_ = 	snop;
	(pc) =	sbr.rel @p0 .LBB2_2-.Ltmp2, $1  }
0x125: {  	_ =	sdelay $0x3  }
0x126: {  	s8 =	simm.s32 $0x0;
	s3 =	rddreg [dreg:$0x5];
	s4 =	simm.s32 $0xA560  }
0x127: {  	[hbm4b:s3+s8] =	stream.linear.scatter [tilespmem:s4], [sflag:$0x2], $0x200, $0x38;
	[tilespmem:$0xA760] =	vst v63  }
0x128: {  	_ =	swait.ge [sflag:s10], $0x200  }
0x129: {  	s2 =	sadd.s32 $0x1, s2;
	s9 =	rddreg [dreg:$0x6]  }
0x12a: {  	p0 =	sne.s32 s2, s9  }
.Ltmp3:
0x12b: {  	_ = 	snop;
	(pc) =	sbr.rel @p0 .LBB2_1-.Ltmp3, $3  }
0x12c: {  	_ =	sdelay $0x1  }
0x12d: {  	[sflag:s10] =	ssyncset.done $0x0  }
0x12e: {  	[sflag:s10] =	ssyncadd.s32 $0xFFFFFE00  }
0x12f: {  	_ =	sfence.sel $0x180000  }
0x130: {  	[bflag:$0x0] =	sbarrier.arrive $0xFFFF  }
0x131: {  	_ =	strace $0x90000047  }
0x132: {  	s0 =	stileid.u32;
	[bflag:$0x2] =	sbarrier.arrive $0xFFFF  }
0x133: {  	p0 =	sne.s32 s0, $0x0;
	s0 =	rddreg [dreg:$0x4]  }
0x134: {  	s0 =	sadd.s32 @!p0 $0x100000, s0  }
0x135: {  	[sflag:s0] =	ssyncadd.tile.s32 @!p0 $0x1;
	_ =	shalt  }
.Lfunc_end2:
_tile_overlayer_lowered:
.L_overlay_start_2:
0x136: {  	(tag) =	ssettag $0x2  }
0x137: {  	s0 =	rddreg [dreg:$0x0];
	s2 =	stileid.u32  }
0x138: {  	s1 =	rddreg [dreg:$0x1];
	p0 =	sne.s32 s2, $0x0  }
0x139: {  	s3 =	rddreg [dreg:$0x2];
	[bflag:$0x3] =	sbarrier.arrive $0xFFFF;
	s2 =	simm.s32 @!p0 $0x1C02  }
0x13a: {  	[timem:s3], [sflag:s2] =	dma.local @!p0 [hbm:s0], s1  }
0x13b: {  	s0 =	simm.s32 @!p0 $0x2  }
0x13c: {  	_ =	swait.ge @!p0 [sflag:s0], s1  }
0x13d: {  	s1 =	ssub.s32 @!p0 $0x0, s1;
	[sflag:s0] =	ssyncset.done @!p0 $0x0  }
0x13e: {  	[sflag:s0] =	ssyncadd.s32 @!p0 s1  }
0x13f: {  	[bflag:$0x3] =	sbarrier.arrive $0xFFFF  }
0x140: {  	_ =	shalt  }

</sc_bundles>
